<compile_context>
chip_gen: v7x
topology: tpu7x:2x2x1
jax: 0.10.2.dev20260603
libtpu: 0.0.44.dev20260713+nightly
codegen_flags: <defaults>
</compile_context>

<pallas_src>
import jax
import jax.numpy as jnp
from jax import lax
from jax.experimental import pallas as pl
from jax.experimental.pallas import tpu as pltpu
from jax.experimental.pallas import tpu_sc as plsc

N = 100000
C = 1000
B = 4096
INV_TAU = float(1.0 / 0.3)

_NC, _NS, _L = 2, 16, 16
_NW = _NC * _NS
_BPW = B // _NW
_CH = 32
_CA = 896
_CT = 128

_TR = 1000


def _tc_tail_body(t_ref, o_ref):
    o_ref[:, :C - _CA] = t_ref[:, _CA:]


def _tc_tail(table):
    return pl.pallas_call(
        _tc_tail_body,
        grid=(N // _TR,),
        in_specs=[pl.BlockSpec((_TR, C), lambda i: (i, 0))],
        out_specs=pl.BlockSpec((_TR, _CT), lambda i: (i, 0)),
        out_shape=jax.ShapeDtypeStruct((N, _CT), jnp.float32),
    )(table)


_CP = 1024


def _sc_gather_body(table, index_h, idxrp_h, g_out, rp_out,
                    idx_v, idxrp_v, cidx_v, rows_v, sem):
    wid = lax.axis_index("s") * _NC + lax.axis_index("c")
    base = wid * _BPW
    pltpu.sync_copy(index_h.at[pl.ds(base, _BPW)], idx_v)
    pltpu.sync_copy(idxrp_h.at[pl.ds(base, _BPW)], idxrp_v)
    pltpu.async_copy(index_h.at[idxrp_v], cidx_v, sem).wait()
    for tgt in range(2):
        src_v = (idx_v, cidx_v)[tgt]
        out_h = (g_out, rp_out)[tgt]
        for ch in range(_BPW // _CH):
            isl = src_v.at[pl.ds(ch * _CH, _CH)]
            pltpu.async_copy(table.at[isl, pl.ds(0, _CP)],
                             rows_v, sem).wait()
            pltpu.sync_copy(rows_v, out_h.at[pl.ds(base + ch * _CH, _CH)])


def _sc_gather(table, index, idx_rp):
    mesh = plsc.VectorSubcoreMesh(core_axis_name="c", subcore_axis_name="s")
    f = pl.kernel(
        _sc_gather_body,
        mesh=mesh,
        out_type=(jax.ShapeDtypeStruct((B, _CP), jnp.float32),
                  jax.ShapeDtypeStruct((B, _CP), jnp.float32)),
        scratch_types=[
            pltpu.VMEM((_BPW,), jnp.int32),
            pltpu.VMEM((_BPW,), jnp.int32),
            pltpu.VMEM((_BPW,), jnp.int32),
            pltpu.VMEM((_CH, _CP), jnp.float32),
            pltpu.SemaphoreType.DMA,
        ],
    )
    return f(table, index, idx_rp)


_BS = 512


def _tc_body(lam_ref, x_ref, m1_ref, m2_ref, g_ref, grp_ref,
             cls_ref, sim_ref, acc_ref):
    i = pl.program_id(0)

    @pl.when(i == 0)
    def _init():
        for k in range(5):
            acc_ref[k] = jnp.float32(0.0)

    x = x_ref[...]
    ls = x - jnp.max(x, axis=1, keepdims=True)
    ls = ls - jnp.log(jnp.sum(jnp.exp(ls), axis=1, keepdims=True))
    a = m1_ref[...] * INV_TAU
    a = a - jnp.max(a, axis=1, keepdims=True)
    lq1 = a - jnp.log(jnp.sum(jnp.exp(a), axis=1, keepdims=True))
    b = m2_ref[...] * INV_TAU
    b = b - jnp.max(b, axis=1, keepdims=True)
    lq2 = b - jnp.log(jnp.sum(jnp.exp(b), axis=1, keepdims=True))
    m = lq1 + lq2
    g = g_ref[:, :C]
    grp = grp_ref[:, :C]
    acc_ref[0] += jnp.sum(g * ls)
    acc_ref[1] += jnp.sum(g * jnp.log(g))
    acc_ref[2] += jnp.sum(g * m)
    acc_ref[3] += jnp.sum(grp * m)
    acc_ref[4] += jnp.sum(grp * jnp.log(grp))

    @pl.when(i == pl.num_programs(0) - 1)
    def _fini():
        lam = lam_ref[0]
        s1, e, s2, s2rp, erp = (acc_ref[0], acc_ref[1], acc_ref[2],
                                acc_ref[3], acc_ref[4])
        inv_b = jnp.float32(1.0 / B)
        cls_ref[0] = -s1 * inv_b
        sim_ref[0] = (lam * (2.0 * e - s2)
                      + (1.0 - lam) * (2.0 * erp - s2rp)) * inv_b


def _tc_reduce(lam, cls_out1, l1m, l2m, g, grp):
    mat = pl.BlockSpec((_BS, C), lambda i: (i, 0))
    matp = pl.BlockSpec((_BS, _CP), lambda i: (i, 0))
    return pl.pallas_call(
        _tc_body,
        grid=(B // _BS,),
        in_specs=[pl.BlockSpec(memory_space=pltpu.SMEM),
                  mat, mat, mat, matp, matp],
        out_specs=[pl.BlockSpec(memory_space=pltpu.SMEM),
                   pl.BlockSpec(memory_space=pltpu.SMEM)],
        out_shape=[jax.ShapeDtypeStruct((1,), jnp.float32),
                   jax.ShapeDtypeStruct((1,), jnp.float32)],
        scratch_shapes=[pltpu.SMEM((5,), jnp.float32)],
    )(lam, cls_out1, l1m, l2m, g, grp)


def _sc_gather896(table, index, idx_rp):
    mesh = plsc.VectorSubcoreMesh(core_axis_name="c", subcore_axis_name="s")

    def body(table, index_h, idxrp_h, g_out, rp_out,
             idx_v, idxrp_v, cidx_v, rows_v, sem):
        wid = lax.axis_index("s") * _NC + lax.axis_index("c")
        base = wid * _BPW
        pltpu.sync_copy(index_h.at[pl.ds(base, _BPW)], idx_v)
        pltpu.sync_copy(idxrp_h.at[pl.ds(base, _BPW)], idxrp_v)
        pltpu.async_copy(index_h.at[idxrp_v], cidx_v, sem).wait()
        for tgt in range(2):
            src_v = (idx_v, cidx_v)[tgt]
            out_h = (g_out, rp_out)[tgt]
            for ch in range(_BPW // _CH):
                isl = src_v.at[pl.ds(ch * _CH, _CH)]
                pltpu.async_copy(table.at[isl, pl.ds(0, _CA)],
                                 rows_v, sem).wait()
                pltpu.sync_copy(rows_v,
                                out_h.at[pl.ds(base + ch * _CH, _CH)])

    f = pl.kernel(
        body,
        mesh=mesh,
        out_type=(jax.ShapeDtypeStruct((B, _CA), jnp.float32),
                  jax.ShapeDtypeStruct((B, _CA), jnp.float32)),
        scratch_types=[
            pltpu.VMEM((_BPW,), jnp.int32),
            pltpu.VMEM((_BPW,), jnp.int32),
            pltpu.VMEM((_BPW,), jnp.int32),
            pltpu.VMEM((_CH, _CA), jnp.float32),
            pltpu.SemaphoreType.DMA,
        ],
    )
    return f(table, index, idx_rp)


def kernel(predicted_score_cls, cls_out1, cls_out2, logits_prot1,
           logits_prot2, logits_prot_1_mix, logits_prot_2_mix, idx_rp,
           Lambda, index):
    ga, grp = _sc_gather896(predicted_score_cls, index.astype(jnp.int32),
                            idx_rp.astype(jnp.int32))
    return (ga[0, 0], grp[2048, 512], jnp.float32(1.0))

# --- scband reference (transcript-rebuilt; emitter-appended) ---
"""Pipeline reference for scband-pa-pi-loss-33182917329554 (READ-ONLY COPY).

The authoritative reference and input builder live on the scoring server;
editing this copy changes nothing except your own understanding.
"""

import jax, jax.numpy as jnp
import numpy as np

N = 100000
C = 1000
B = 4096
TAU_PROTO = 0.3
ALPHA = 1.0


def _kl_batchmean(log_q, p):
    # faithful to torch.nn.KLDivLoss(reduction='batchmean') with log-input
    t = jnp.where(p > 0, p * (jnp.log(jnp.where(p > 0, p, 1.0)) - log_q), 0.0)
    return t.sum() / p.shape[0]


def setup_inputs(seed: int = 0) -> dict:
    key = jax.random.key(seed)
    ks = jax.random.split(key, 10)
    table = jax.random.uniform(ks[0], (N, C), dtype=jnp.float32) + 1e-3
    table = table / table.sum(axis=1, keepdims=True)  # soft pseudo-label bank (rows are distributions)
    return {
        "predicted_score_cls": table,
        "cls_out1": jax.random.normal(ks[1], (B, C), dtype=jnp.float32),
        "cls_out2": jax.random.normal(ks[2], (B, C), dtype=jnp.float32),
        "logits_prot1": jax.random.normal(ks[3], (B, C), dtype=jnp.float32),
        "logits_prot2": jax.random.normal(ks[4], (B, C), dtype=jnp.float32),
        "logits_prot_1_mix": jax.random.normal(ks[5], (B, C), dtype=jnp.float32),
        "logits_prot_2_mix": jax.random.normal(ks[6], (B, C), dtype=jnp.float32),
        "idx_rp": jax.random.randint(ks[7], (B,), 0, B, dtype=jnp.int64) if jax.config.jax_enable_x64 else jax.random.randint(ks[7], (B,), 0, B, dtype=jnp.int32),
        "Lambda": jnp.float32(0.5),
        "index": jax.random.randint(ks[8], (B,), 0, N, dtype=jnp.int64) if jax.config.jax_enable_x64 else jax.random.randint(ks[8], (B,), 0, N, dtype=jnp.int32),
    }


def reference(predicted_score_cls, cls_out1, cls_out2, logits_prot1, logits_prot2,
              logits_prot_1_mix, logits_prot_2_mix, idx_rp, Lambda, index):
    y_pred_1_probas = jax.nn.softmax(cls_out1, axis=1)
    prot_pred_1_mix_probas_log = jax.nn.log_softmax(logits_prot_1_mix / TAU_PROTO, axis=1)
    prot_pred_2_mix_probas_log = jax.nn.log_softmax(logits_prot_2_mix / TAU_PROTO, axis=1)
    # gather soft targets from the dataset-wide pseudo-label memory bank
    t1 = jax.lax.stop_gradient(jnp.take(predicted_score_cls, index, axis=0))
    t1_rp = jax.lax.stop_gradient(jnp.take(predicted_score_cls, jnp.take(index, idx_rp, axis=0), axis=0))
    cls_loss_all_1 = t1 * jnp.log(y_pred_1_probas)
    cls_loss_1 = -cls_loss_all_1.sum(axis=1).mean()
    sim_loss_2_1 = Lambda * _kl_batchmean(prot_pred_1_mix_probas_log, t1) + (1 - Lambda) * _kl_batchmean(prot_pred_1_mix_probas_log, t1_rp)
    sim_loss_2_2 = Lambda * _kl_batchmean(prot_pred_2_mix_probas_log, t1) + (1 - Lambda) * _kl_batchmean(prot_pred_2_mix_probas_log, t1_rp)
    sim_loss_2 = sim_loss_2_1 + sim_loss_2_2
    return (cls_loss_1, sim_loss_2, jnp.float32(ALPHA))

if __name__ == "__main__":
    import jax
    _d = setup_inputs()
    print(jax.jit(kernel)(*tuple(_d.values())))

</pallas_src>

<mosaic_0001>
#map = affine_map<(d0, d1) -> (0, 0)>
#map1 = affine_map<(d0, d1) -> (0)>
module attributes {stable_mosaic.version = 14 : i64} {
  func.func @body(%arg0: i32, %arg1: i32, %arg2: memref<100000x1000xf32, #tpu.memory_space<hbm>>, %arg3: memref<4096xi32, #tpu.memory_space<hbm>>, %arg4: memref<4096xi32, #tpu.memory_space<hbm>>, %arg5: memref<4096x896xf32, #tpu.memory_space<hbm>>, %arg6: memref<4096x896xf32, #tpu.memory_space<hbm>>, %arg7: memref<128xi32, #tpu.memory_space<vmem>>, %arg8: memref<128xi32, #tpu.memory_space<vmem>>, %arg9: memref<128xi32, #tpu.memory_space<vmem>>, %arg10: memref<32x896xf32, #tpu.memory_space<vmem>>, %arg11: memref<!tpu.dma_semaphore, #tpu.memory_space<semaphore_mem>>) attributes {dimension_semantics = [#tpu.dimension_semantics<core_parallel>, #tpu.dimension_semantics<subcore_parallel>], iteration_bounds = array<i64: 2, 16>, scalar_prefetch = 0 : i64, scratch_operands = 5 : i64, tpu.core_type = #tpu.core_type<sc_vector_subcore>, window_params = [{transform_indices = #map}, {transform_indices = #map1}, {transform_indices = #map1}, {transform_indices = #map}, {transform_indices = #map}]} {
    %mul3A = arith.constant 2 : i32
    %mul3A_0 = arith.muli %arg1, %mul3A : i32
    %add3A = arith.addi %mul3A_0, %arg0 : i32
    %mul3A_1 = arith.constant 128 : i32
    %mul3A_2 = arith.muli %add3A, %mul3A_1 : i32
    "tpu.region"() ({
      %run_scoped3A = tpu.sem_alloc : memref<!tpu.dma_semaphore, #tpu.memory_space<semaphore_mem>>
      %dma_start3A_101 = tpu.memref_slice %arg3[%mul3A_2] : memref<4096xi32, #tpu.memory_space<hbm>> -> memref<128xi32, #tpu.memory_space<hbm>>
      %dma_start3A_102 = tpu.memref_slice %arg3[%mul3A_2] : memref<4096xi32, #tpu.memory_space<hbm>> -> memref<128xi32, #tpu.memory_space<hbm>>
      tpu.enqueue_dma source(%dma_start3A_102 : memref<128xi32, #tpu.memory_space<hbm>>) target(%arg7 : memref<128xi32, #tpu.memory_space<vmem>>) target_semaphore(%run_scoped3A : memref<!tpu.dma_semaphore, #tpu.memory_space<semaphore_mem>>)
      %dma_wait3A_103 = tpu.memref_slice %arg3[%mul3A_2] : memref<4096xi32, #tpu.memory_space<hbm>> -> memref<128xi32, #tpu.memory_space<hbm>>
      %dma_wait3A_104 = tpu.memref_slice %arg3[%mul3A_2] : memref<4096xi32, #tpu.memory_space<hbm>> -> memref<128xi32, #tpu.memory_space<hbm>>
      tpu.wait_dma2 semaphore(%run_scoped3A : memref<!tpu.dma_semaphore, #tpu.memory_space<semaphore_mem>>) src(%dma_wait3A_104 : memref<128xi32, #tpu.memory_space<hbm>>) dst(%arg7 : memref<128xi32, #tpu.memory_space<vmem>>)
      tpu.yield
    }) : () -> ()
    "tpu.region"() ({
      %run_scoped3A = tpu.sem_alloc : memref<!tpu.dma_semaphore, #tpu.memory_space<semaphore_mem>>
      %dma_start3A_101 = tpu.memref_slice %arg4[%mul3A_2] : memref<4096xi32, #tpu.memory_space<hbm>> -> memref<128xi32, #tpu.memory_space<hbm>>
      %dma_start3A_102 = tpu.memref_slice %arg4[%mul3A_2] : memref<4096xi32, #tpu.memory_space<hbm>> -> memref<128xi32, #tpu.memory_space<hbm>>
      tpu.enqueue_dma source(%dma_start3A_102 : memref<128xi32, #tpu.memory_space<hbm>>) target(%arg8 : memref<128xi32, #tpu.memory_space<vmem>>) target_semaphore(%run_scoped3A : memref<!tpu.dma_semaphore, #tpu.memory_space<semaphore_mem>>)
      %dma_wait3A_103 = tpu.memref_slice %arg4[%mul3A_2] : memref<4096xi32, #tpu.memory_space<hbm>> -> memref<128xi32, #tpu.memory_space<hbm>>
      %dma_wait3A_104 = tpu.memref_slice %arg4[%mul3A_2] : memref<4096xi32, #tpu.memory_space<hbm>> -> memref<128xi32, #tpu.memory_space<hbm>>
      tpu.wait_dma2 semaphore(%run_scoped3A : memref<!tpu.dma_semaphore, #tpu.memory_space<semaphore_mem>>) src(%dma_wait3A_104 : memref<128xi32, #tpu.memory_space<hbm>>) dst(%arg8 : memref<128xi32, #tpu.memory_space<vmem>>)
      tpu.yield
    }) : () -> ()
    %dma_start3A = arith.constant 0 : i32
    %dma_start3A_3 = tpu.memref_slice %arg3[%dma_start3A] : memref<4096xi32, #tpu.memory_space<hbm>> -> memref<4096xi32, #tpu.memory_space<hbm>>
    tpu.enqueue_indirect_dma source(%dma_start3A_3 : memref<4096xi32, #tpu.memory_space<hbm>>) target(%arg9 : memref<128xi32, #tpu.memory_space<vmem>>) offsets(%arg8 : memref<128xi32, #tpu.memory_space<vmem>>) semaphore(%arg11 : memref<!tpu.dma_semaphore, #tpu.memory_space<semaphore_mem>>)
    %dma_wait3A = arith.constant 0 : i32
    %dma_wait3A_4 = tpu.memref_slice %arg3[%dma_wait3A] : memref<4096xi32, #tpu.memory_space<hbm>> -> memref<4096xi32, #tpu.memory_space<hbm>>
    tpu.wait_indirect_dma semaphore(%arg11 : memref<!tpu.dma_semaphore, #tpu.memory_space<semaphore_mem>>) src(%dma_wait3A_4 : memref<4096xi32, #tpu.memory_space<hbm>>) dst(%arg9 : memref<128xi32, #tpu.memory_space<vmem>>)
    %dma_start3A_5 = arith.constant 0 : i32
    %dma_start3A_6 = tpu.memref_slice %arg7[%dma_start3A_5] : memref<128xi32, #tpu.memory_space<vmem>> -> memref<32xi32, #tpu.memory_space<vmem>>
    %dma_start3A_7 = arith.constant 0 : i32
    %dma_start3A_8 = arith.constant 0 : i32
    %dma_start3A_9 = tpu.memref_slice %arg2[%dma_start3A_7, %dma_start3A_8] : memref<100000x1000xf32, #tpu.memory_space<hbm>> -> memref<100000x896xf32, #tpu.memory_space<hbm>>
    tpu.enqueue_indirect_dma source(%dma_start3A_9 : memref<100000x896xf32, #tpu.memory_space<hbm>>) target(%arg10 : memref<32x896xf32, #tpu.memory_space<vmem>>) offsets(%dma_start3A_6 : memref<32xi32, #tpu.memory_space<vmem>>) semaphore(%arg11 : memref<!tpu.dma_semaphore, #tpu.memory_space<semaphore_mem>>)
    %dma_wait3A_10 = arith.constant 0 : i32
    %dma_wait3A_11 = tpu.memref_slice %arg7[%dma_wait3A_10] : memref<128xi32, #tpu.memory_space<vmem>> -> memref<32xi32, #tpu.memory_space<vmem>>
    %dma_wait3A_12 = arith.constant 0 : i32
    %dma_wait3A_13 = arith.constant 0 : i32
    %dma_wait3A_14 = tpu.memref_slice %arg2[%dma_wait3A_12, %dma_wait3A_13] : memref<100000x1000xf32, #tpu.memory_space<hbm>> -> memref<100000x896xf32, #tpu.memory_space<hbm>>
    tpu.wait_indirect_dma semaphore(%arg11 : memref<!tpu.dma_semaphore, #tpu.memory_space<semaphore_mem>>) src(%dma_wait3A_14 : memref<100000x896xf32, #tpu.memory_space<hbm>>) dst(%arg10 : memref<32x896xf32, #tpu.memory_space<vmem>>)
    %add3A_15 = arith.constant 0 : i32
    %add3A_16 = arith.addi %mul3A_2, %add3A_15 : i32
    "tpu.region"() ({
      %run_scoped3A = tpu.sem_alloc : memref<!tpu.dma_semaphore, #tpu.memory_space<semaphore_mem>>
      %dma_start3A_101 = arith.constant 0 : i32
      %dma_start3A_102 = tpu.memref_slice %arg5[%add3A_16, %dma_start3A_101] : memref<4096x896xf32, #tpu.memory_space<hbm>> -> memref<32x896xf32, #tpu.memory_space<hbm>>
      %dma_start3A_103 = arith.constant 0 : i32
      %dma_start3A_104 = tpu.memref_slice %arg5[%add3A_16, %dma_start3A_103] : memref<4096x896xf32, #tpu.memory_space<hbm>> -> memref<32x896xf32, #tpu.memory_space<hbm>>
      tpu.enqueue_dma source(%arg10 : memref<32x896xf32, #tpu.memory_space<vmem>>) target(%dma_start3A_104 : memref<32x896xf32, #tpu.memory_space<hbm>>) target_semaphore(%run_scoped3A : memref<!tpu.dma_semaphore, #tpu.memory_space<semaphore_mem>>)
      %dma_wait3A_105 = arith.constant 0 : i32
      %dma_wait3A_106 = tpu.memref_slice %arg5[%add3A_16, %dma_wait3A_105] : memref<4096x896xf32, #tpu.memory_space<hbm>> -> memref<32x896xf32, #tpu.memory_space<hbm>>
      %dma_wait3A_107 = arith.constant 0 : i32
      %dma_wait3A_108 = tpu.memref_slice %arg5[%add3A_16, %dma_wait3A_107] : memref<4096x896xf32, #tpu.memory_space<hbm>> -> memref<32x896xf32, #tpu.memory_space<hbm>>
      tpu.wait_dma2 semaphore(%run_scoped3A : memref<!tpu.dma_semaphore, #tpu.memory_space<semaphore_mem>>) src(%arg10 : memref<32x896xf32, #tpu.memory_space<vmem>>) dst(%dma_wait3A_108 : memref<32x896xf32, #tpu.memory_space<hbm>>)
      tpu.yield
    }) : () -> ()
    %dma_start3A_17 = arith.constant 32 : i32
    %dma_start3A_18 = tpu.memref_slice %arg7[%dma_start3A_17] : memref<128xi32, #tpu.memory_space<vmem>> -> memref<32xi32, #tpu.memory_space<vmem>>
    %dma_start3A_19 = arith.constant 0 : i32
    %dma_start3A_20 = arith.constant 0 : i32
    %dma_start3A_21 = tpu.memref_slice %arg2[%dma_start3A_19, %dma_start3A_20] : memref<100000x1000xf32, #tpu.memory_space<hbm>> -> memref<100000x896xf32, #tpu.memory_space<hbm>>
    tpu.enqueue_indirect_dma source(%dma_start3A_21 : memref<100000x896xf32, #tpu.memory_space<hbm>>) target(%arg10 : memref<32x896xf32, #tpu.memory_space<vmem>>) offsets(%dma_start3A_18 : memref<32xi32, #tpu.memory_space<vmem>>) semaphore(%arg11 : memref<!tpu.dma_semaphore, #tpu.memory_space<semaphore_mem>>)
    %dma_wait3A_22 = arith.constant 32 : i32
    %dma_wait3A_23 = tpu.memref_slice %arg7[%dma_wait3A_22] : memref<128xi32, #tpu.memory_space<vmem>> -> memref<32xi32, #tpu.memory_space<vmem>>
    %dma_wait3A_24 = arith.constant 0 : i32
    %dma_wait3A_25 = arith.constant 0 : i32
    %dma_wait3A_26 = tpu.memref_slice %arg2[%dma_wait3A_24, %dma_wait3A_25] : memref<100000x1000xf32, #tpu.memory_space<hbm>> -> memref<100000x896xf32, #tpu.memory_space<hbm>>
    tpu.wait_indirect_dma semaphore(%arg11 : memref<!tpu.dma_semaphore, #tpu.memory_space<semaphore_mem>>) src(%dma_wait3A_26 : memref<100000x896xf32, #tpu.memory_space<hbm>>) dst(%arg10 : memref<32x896xf32, #tpu.memory_space<vmem>>)
    %add3A_27 = arith.constant 32 : i32
    %add3A_28 = arith.addi %mul3A_2, %add3A_27 : i32
    "tpu.region"() ({
      %run_scoped3A = tpu.sem_alloc : memref<!tpu.dma_semaphore, #tpu.memory_space<semaphore_mem>>
      %dma_start3A_101 = arith.constant 0 : i32
      %dma_start3A_102 = tpu.memref_slice %arg5[%add3A_28, %dma_start3A_101] : memref<4096x896xf32, #tpu.memory_space<hbm>> -> memref<32x896xf32, #tpu.memory_space<hbm>>
      %dma_start3A_103 = arith.constant 0 : i32
      %dma_start3A_104 = tpu.memref_slice %arg5[%add3A_28, %dma_start3A_103] : memref<4096x896xf32, #tpu.memory_space<hbm>> -> memref<32x896xf32, #tpu.memory_space<hbm>>
      tpu.enqueue_dma source(%arg10 : memref<32x896xf32, #tpu.memory_space<vmem>>) target(%dma_start3A_104 : memref<32x896xf32, #tpu.memory_space<hbm>>) target_semaphore(%run_scoped3A : memref<!tpu.dma_semaphore, #tpu.memory_space<semaphore_mem>>)
      %dma_wait3A_105 = arith.constant 0 : i32
      %dma_wait3A_106 = tpu.memref_slice %arg5[%add3A_28, %dma_wait3A_105] : memref<4096x896xf32, #tpu.memory_space<hbm>> -> memref<32x896xf32, #tpu.memory_space<hbm>>
      %dma_wait3A_107 = arith.constant 0 : i32
      %dma_wait3A_108 = tpu.memref_slice %arg5[%add3A_28, %dma_wait3A_107] : memref<4096x896xf32, #tpu.memory_space<hbm>> -> memref<32x896xf32, #tpu.memory_space<hbm>>
      tpu.wait_dma2 semaphore(%run_scoped3A : memref<!tpu.dma_semaphore, #tpu.memory_space<semaphore_mem>>) src(%arg10 : memref<32x896xf32, #tpu.memory_space<vmem>>) dst(%dma_wait3A_108 : memref<32x896xf32, #tpu.memory_space<hbm>>)
      tpu.yield
    }) : () -> ()
    %dma_start3A_29 = arith.constant 64 : i32
    %dma_start3A_30 = tpu.memref_slice %arg7[%dma_start3A_29] : memref<128xi32, #tpu.memory_space<vmem>> -> memref<32xi32, #tpu.memory_space<vmem>>
    %dma_start3A_31 = arith.constant 0 : i32
    %dma_start3A_32 = arith.constant 0 : i32
    %dma_start3A_33 = tpu.memref_slice %arg2[%dma_start3A_31, %dma_start3A_32] : memref<100000x1000xf32, #tpu.memory_space<hbm>> -> memref<100000x896xf32, #tpu.memory_space<hbm>>
    tpu.enqueue_indirect_dma source(%dma_start3A_33 : memref<100000x896xf32, #tpu.memory_space<hbm>>) target(%arg10 : memref<32x896xf32, #tpu.memory_space<vmem>>) offsets(%dma_start3A_30 : memref<32xi32, #tpu.memory_space<vmem>>) semaphore(%arg11 : memref<!tpu.dma_semaphore, #tpu.memory_space<semaphore_mem>>)
    %dma_wait3A_34 = arith.constant 64 : i32
    %dma_wait3A_35 = tpu.memref_slice %arg7[%dma_wait3A_34] : memref<128xi32, #tpu.memory_space<vmem>> -> memref<32xi32, #tpu.memory_space<vmem>>
    %dma_wait3A_36 = arith.constant 0 : i32
    %dma_wait3A_37 = arith.constant 0 : i32
    %dma_wait3A_38 = tpu.memref_slice %arg2[%dma_wait3A_36, %dma_wait3A_37] : memref<100000x1000xf32, #tpu.memory_space<hbm>> -> memref<100000x896xf32, #tpu.memory_space<hbm>>
    tpu.wait_indirect_dma semaphore(%arg11 : memref<!tpu.dma_semaphore, #tpu.memory_space<semaphore_mem>>) src(%dma_wait3A_38 : memref<100000x896xf32, #tpu.memory_space<hbm>>) dst(%arg10 : memref<32x896xf32, #tpu.memory_space<vmem>>)
    %add3A_39 = arith.constant 64 : i32
    %add3A_40 = arith.addi %mul3A_2, %add3A_39 : i32
    "tpu.region"() ({
      %run_scoped3A = tpu.sem_alloc : memref<!tpu.dma_semaphore, #tpu.memory_space<semaphore_mem>>
      %dma_start3A_101 = arith.constant 0 : i32
      %dma_start3A_102 = tpu.memref_slice %arg5[%add3A_40, %dma_start3A_101] : memref<4096x896xf32, #tpu.memory_space<hbm>> -> memref<32x896xf32, #tpu.memory_space<hbm>>
      %dma_start3A_103 = arith.constant 0 : i32
      %dma_start3A_104 = tpu.memref_slice %arg5[%add3A_40, %dma_start3A_103] : memref<4096x896xf32, #tpu.memory_space<hbm>> -> memref<32x896xf32, #tpu.memory_space<hbm>>
      tpu.enqueue_dma source(%arg10 : memref<32x896xf32, #tpu.memory_space<vmem>>) target(%dma_start3A_104 : memref<32x896xf32, #tpu.memory_space<hbm>>) target_semaphore(%run_scoped3A : memref<!tpu.dma_semaphore, #tpu.memory_space<semaphore_mem>>)
      %dma_wait3A_105 = arith.constant 0 : i32
      %dma_wait3A_106 = tpu.memref_slice %arg5[%add3A_40, %dma_wait3A_105] : memref<4096x896xf32, #tpu.memory_space<hbm>> -> memref<32x896xf32, #tpu.memory_space<hbm>>
      %dma_wait3A_107 = arith.constant 0 : i32
      %dma_wait3A_108 = tpu.memref_slice %arg5[%add3A_40, %dma_wait3A_107] : memref<4096x896xf32, #tpu.memory_space<hbm>> -> memref<32x896xf32, #tpu.memory_space<hbm>>
      tpu.wait_dma2 semaphore(%run_scoped3A : memref<!tpu.dma_semaphore, #tpu.memory_space<semaphore_mem>>) src(%arg10 : memref<32x896xf32, #tpu.memory_space<vmem>>) dst(%dma_wait3A_108 : memref<32x896xf32, #tpu.memory_space<hbm>>)
      tpu.yield
    }) : () -> ()
    %dma_start3A_41 = arith.constant 96 : i32
    %dma_start3A_42 = tpu.memref_slice %arg7[%dma_start3A_41] : memref<128xi32, #tpu.memory_space<vmem>> -> memref<32xi32, #tpu.memory_space<vmem>>
    %dma_start3A_43 = arith.constant 0 : i32
    %dma_start3A_44 = arith.constant 0 : i32
    %dma_start3A_45 = tpu.memref_slice %arg2[%dma_start3A_43, %dma_start3A_44] : memref<100000x1000xf32, #tpu.memory_space<hbm>> -> memref<100000x896xf32, #tpu.memory_space<hbm>>
    tpu.enqueue_indirect_dma source(%dma_start3A_45 : memref<100000x896xf32, #tpu.memory_space<hbm>>) target(%arg10 : memref<32x896xf32, #tpu.memory_space<vmem>>) offsets(%dma_start3A_42 : memref<32xi32, #tpu.memory_space<vmem>>) semaphore(%arg11 : memref<!tpu.dma_semaphore, #tpu.memory_space<semaphore_mem>>)
    %dma_wait3A_46 = arith.constant 96 : i32
    %dma_wait3A_47 = tpu.memref_slice %arg7[%dma_wait3A_46] : memref<128xi32, #tpu.memory_space<vmem>> -> memref<32xi32, #tpu.memory_space<vmem>>
    %dma_wait3A_48 = arith.constant 0 : i32
    %dma_wait3A_49 = arith.constant 0 : i32
    %dma_wait3A_50 = tpu.memref_slice %arg2[%dma_wait3A_48, %dma_wait3A_49] : memref<100000x1000xf32, #tpu.memory_space<hbm>> -> memref<100000x896xf32, #tpu.memory_space<hbm>>
    tpu.wait_indirect_dma semaphore(%arg11 : memref<!tpu.dma_semaphore, #tpu.memory_space<semaphore_mem>>) src(%dma_wait3A_50 : memref<100000x896xf32, #tpu.memory_space<hbm>>) dst(%arg10 : memref<32x896xf32, #tpu.memory_space<vmem>>)
    %add3A_51 = arith.constant 96 : i32
    %add3A_52 = arith.addi %mul3A_2, %add3A_51 : i32
    "tpu.region"() ({
      %run_scoped3A = tpu.sem_alloc : memref<!tpu.dma_semaphore, #tpu.memory_space<semaphore_mem>>
      %dma_start3A_101 = arith.constant 0 : i32
      %dma_start3A_102 = tpu.memref_slice %arg5[%add3A_52, %dma_start3A_101] : memref<4096x896xf32, #tpu.memory_space<hbm>> -> memref<32x896xf32, #tpu.memory_space<hbm>>
      %dma_start3A_103 = arith.constant 0 : i32
      %dma_start3A_104 = tpu.memref_slice %arg5[%add3A_52, %dma_start3A_103] : memref<4096x896xf32, #tpu.memory_space<hbm>> -> memref<32x896xf32, #tpu.memory_space<hbm>>
      tpu.enqueue_dma source(%arg10 : memref<32x896xf32, #tpu.memory_space<vmem>>) target(%dma_start3A_104 : memref<32x896xf32, #tpu.memory_space<hbm>>) target_semaphore(%run_scoped3A : memref<!tpu.dma_semaphore, #tpu.memory_space<semaphore_mem>>)
      %dma_wait3A_105 = arith.constant 0 : i32
      %dma_wait3A_106 = tpu.memref_slice %arg5[%add3A_52, %dma_wait3A_105] : memref<4096x896xf32, #tpu.memory_space<hbm>> -> memref<32x896xf32, #tpu.memory_space<hbm>>
      %dma_wait3A_107 = arith.constant 0 : i32
      %dma_wait3A_108 = tpu.memref_slice %arg5[%add3A_52, %dma_wait3A_107] : memref<4096x896xf32, #tpu.memory_space<hbm>> -> memref<32x896xf32, #tpu.memory_space<hbm>>
      tpu.wait_dma2 semaphore(%run_scoped3A : memref<!tpu.dma_semaphore, #tpu.memory_space<semaphore_mem>>) src(%arg10 : memref<32x896xf32, #tpu.memory_space<vmem>>) dst(%dma_wait3A_108 : memref<32x896xf32, #tpu.memory_space<hbm>>)
      tpu.yield
    }) : () -> ()
    %dma_start3A_53 = arith.constant 0 : i32
    %dma_start3A_54 = tpu.memref_slice %arg9[%dma_start3A_53] : memref<128xi32, #tpu.memory_space<vmem>> -> memref<32xi32, #tpu.memory_space<vmem>>
    %dma_start3A_55 = arith.constant 0 : i32
    %dma_start3A_56 = arith.constant 0 : i32
    %dma_start3A_57 = tpu.memref_slice %arg2[%dma_start3A_55, %dma_start3A_56] : memref<100000x1000xf32, #tpu.memory_space<hbm>> -> memref<100000x896xf32, #tpu.memory_space<hbm>>
    tpu.enqueue_indirect_dma source(%dma_start3A_57 : memref<100000x896xf32, #tpu.memory_space<hbm>>) target(%arg10 : memref<32x896xf32, #tpu.memory_space<vmem>>) offsets(%dma_start3A_54 : memref<32xi32, #tpu.memory_space<vmem>>) semaphore(%arg11 : memref<!tpu.dma_semaphore, #tpu.memory_space<semaphore_mem>>)
    %dma_wait3A_58 = arith.constant 0 : i32
    %dma_wait3A_59 = tpu.memref_slice %arg9[%dma_wait3A_58] : memref<128xi32, #tpu.memory_space<vmem>> -> memref<32xi32, #tpu.memory_space<vmem>>
    %dma_wait3A_60 = arith.constant 0 : i32
    %dma_wait3A_61 = arith.constant 0 : i32
    %dma_wait3A_62 = tpu.memref_slice %arg2[%dma_wait3A_60, %dma_wait3A_61] : memref<100000x1000xf32, #tpu.memory_space<hbm>> -> memref<100000x896xf32, #tpu.memory_space<hbm>>
    tpu.wait_indirect_dma semaphore(%arg11 : memref<!tpu.dma_semaphore, #tpu.memory_space<semaphore_mem>>) src(%dma_wait3A_62 : memref<100000x896xf32, #tpu.memory_space<hbm>>) dst(%arg10 : memref<32x896xf32, #tpu.memory_space<vmem>>)
    %add3A_63 = arith.constant 0 : i32
    %add3A_64 = arith.addi %mul3A_2, %add3A_63 : i32
    "tpu.region"() ({
      %run_scoped3A = tpu.sem_alloc : memref<!tpu.dma_semaphore, #tpu.memory_space<semaphore_mem>>
      %dma_start3A_101 = arith.constant 0 : i32
      %dma_start3A_102 = tpu.memref_slice %arg6[%add3A_64, %dma_start3A_101] : memref<4096x896xf32, #tpu.memory_space<hbm>> -> memref<32x896xf32, #tpu.memory_space<hbm>>
      %dma_start3A_103 = arith.constant 0 : i32
      %dma_start3A_104 = tpu.memref_slice %arg6[%add3A_64, %dma_start3A_103] : memref<4096x896xf32, #tpu.memory_space<hbm>> -> memref<32x896xf32, #tpu.memory_space<hbm>>
      tpu.enqueue_dma source(%arg10 : memref<32x896xf32, #tpu.memory_space<vmem>>) target(%dma_start3A_104 : memref<32x896xf32, #tpu.memory_space<hbm>>) target_semaphore(%run_scoped3A : memref<!tpu.dma_semaphore, #tpu.memory_space<semaphore_mem>>)
      %dma_wait3A_105 = arith.constant 0 : i32
      %dma_wait3A_106 = tpu.memref_slice %arg6[%add3A_64, %dma_wait3A_105] : memref<4096x896xf32, #tpu.memory_space<hbm>> -> memref<32x896xf32, #tpu.memory_space<hbm>>
      %dma_wait3A_107 = arith.constant 0 : i32
      %dma_wait3A_108 = tpu.memref_slice %arg6[%add3A_64, %dma_wait3A_107] : memref<4096x896xf32, #tpu.memory_space<hbm>> -> memref<32x896xf32, #tpu.memory_space<hbm>>
      tpu.wait_dma2 semaphore(%run_scoped3A : memref<!tpu.dma_semaphore, #tpu.memory_space<semaphore_mem>>) src(%arg10 : memref<32x896xf32, #tpu.memory_space<vmem>>) dst(%dma_wait3A_108 : memref<32x896xf32, #tpu.memory_space<hbm>>)
      tpu.yield
    }) : () -> ()
    %dma_start3A_65 = arith.constant 32 : i32
    %dma_start3A_66 = tpu.memref_slice %arg9[%dma_start3A_65] : memref<128xi32, #tpu.memory_space<vmem>> -> memref<32xi32, #tpu.memory_space<vmem>>
    %dma_start3A_67 = arith.constant 0 : i32
    %dma_start3A_68 = arith.constant 0 : i32
    %dma_start3A_69 = tpu.memref_slice %arg2[%dma_start3A_67, %dma_start3A_68] : memref<100000x1000xf32, #tpu.memory_space<hbm>> -> memref<100000x896xf32, #tpu.memory_space<hbm>>
    tpu.enqueue_indirect_dma source(%dma_start3A_69 : memref<100000x896xf32, #tpu.memory_space<hbm>>) target(%arg10 : memref<32x896xf32, #tpu.memory_space<vmem>>) offsets(%dma_start3A_66 : memref<32xi32, #tpu.memory_space<vmem>>) semaphore(%arg11 : memref<!tpu.dma_semaphore, #tpu.memory_space<semaphore_mem>>)
    %dma_wait3A_70 = arith.constant 32 : i32
    %dma_wait3A_71 = tpu.memref_slice %arg9[%dma_wait3A_70] : memref<128xi32, #tpu.memory_space<vmem>> -> memref<32xi32, #tpu.memory_space<vmem>>
    %dma_wait3A_72 = arith.constant 0 : i32
    %dma_wait3A_73 = arith.constant 0 : i32
    %dma_wait3A_74 = tpu.memref_slice %arg2[%dma_wait3A_72, %dma_wait3A_73] : memref<100000x1000xf32, #tpu.memory_space<hbm>> -> memref<100000x896xf32, #tpu.memory_space<hbm>>
    tpu.wait_indirect_dma semaphore(%arg11 : memref<!tpu.dma_semaphore, #tpu.memory_space<semaphore_mem>>) src(%dma_wait3A_74 : memref<100000x896xf32, #tpu.memory_space<hbm>>) dst(%arg10 : memref<32x896xf32, #tpu.memory_space<vmem>>)
    %add3A_75 = arith.constant 32 : i32
    %add3A_76 = arith.addi %mul3A_2, %add3A_75 : i32
    "tpu.region"() ({
      %run_scoped3A = tpu.sem_alloc : memref<!tpu.dma_semaphore, #tpu.memory_space<semaphore_mem>>
      %dma_start3A_101 = arith.constant 0 : i32
      %dma_start3A_102 = tpu.memref_slice %arg6[%add3A_76, %dma_start3A_101] : memref<4096x896xf32, #tpu.memory_space<hbm>> -> memref<32x896xf32, #tpu.memory_space<hbm>>
      %dma_start3A_103 = arith.constant 0 : i32
      %dma_start3A_104 = tpu.memref_slice %arg6[%add3A_76, %dma_start3A_103] : memref<4096x896xf32, #tpu.memory_space<hbm>> -> memref<32x896xf32, #tpu.memory_space<hbm>>
      tpu.enqueue_dma source(%arg10 : memref<32x896xf32, #tpu.memory_space<vmem>>) target(%dma_start3A_104 : memref<32x896xf32, #tpu.memory_space<hbm>>) target_semaphore(%run_scoped3A : memref<!tpu.dma_semaphore, #tpu.memory_space<semaphore_mem>>)
      %dma_wait3A_105 = arith.constant 0 : i32
      %dma_wait3A_106 = tpu.memref_slice %arg6[%add3A_76, %dma_wait3A_105] : memref<4096x896xf32, #tpu.memory_space<hbm>> -> memref<32x896xf32, #tpu.memory_space<hbm>>
      %dma_wait3A_107 = arith.constant 0 : i32
      %dma_wait3A_108 = tpu.memref_slice %arg6[%add3A_76, %dma_wait3A_107] : memref<4096x896xf32, #tpu.memory_space<hbm>> -> memref<32x896xf32, #tpu.memory_space<hbm>>
      tpu.wait_dma2 semaphore(%run_scoped3A : memref<!tpu.dma_semaphore, #tpu.memory_space<semaphore_mem>>) src(%arg10 : memref<32x896xf32, #tpu.memory_space<vmem>>) dst(%dma_wait3A_108 : memref<32x896xf32, #tpu.memory_space<hbm>>)
      tpu.yield
    }) : () -> ()
    %dma_start3A_77 = arith.constant 64 : i32
    %dma_start3A_78 = tpu.memref_slice %arg9[%dma_start3A_77] : memref<128xi32, #tpu.memory_space<vmem>> -> memref<32xi32, #tpu.memory_space<vmem>>
    %dma_start3A_79 = arith.constant 0 : i32
    %dma_start3A_80 = arith.constant 0 : i32
    %dma_start3A_81 = tpu.memref_slice %arg2[%dma_start3A_79, %dma_start3A_80] : memref<100000x1000xf32, #tpu.memory_space<hbm>> -> memref<100000x896xf32, #tpu.memory_space<hbm>>
    tpu.enqueue_indirect_dma source(%dma_start3A_81 : memref<100000x896xf32, #tpu.memory_space<hbm>>) target(%arg10 : memref<32x896xf32, #tpu.memory_space<vmem>>) offsets(%dma_start3A_78 : memref<32xi32, #tpu.memory_space<vmem>>) semaphore(%arg11 : memref<!tpu.dma_semaphore, #tpu.memory_space<semaphore_mem>>)
    %dma_wait3A_82 = arith.constant 64 : i32
    %dma_wait3A_83 = tpu.memref_slice %arg9[%dma_wait3A_82] : memref<128xi32, #tpu.memory_space<vmem>> -> memref<32xi32, #tpu.memory_space<vmem>>
    %dma_wait3A_84 = arith.constant 0 : i32
    %dma_wait3A_85 = arith.constant 0 : i32
    %dma_wait3A_86 = tpu.memref_slice %arg2[%dma_wait3A_84, %dma_wait3A_85] : memref<100000x1000xf32, #tpu.memory_space<hbm>> -> memref<100000x896xf32, #tpu.memory_space<hbm>>
    tpu.wait_indirect_dma semaphore(%arg11 : memref<!tpu.dma_semaphore, #tpu.memory_space<semaphore_mem>>) src(%dma_wait3A_86 : memref<100000x896xf32, #tpu.memory_space<hbm>>) dst(%arg10 : memref<32x896xf32, #tpu.memory_space<vmem>>)
    %add3A_87 = arith.constant 64 : i32
    %add3A_88 = arith.addi %mul3A_2, %add3A_87 : i32
    "tpu.region"() ({
      %run_scoped3A = tpu.sem_alloc : memref<!tpu.dma_semaphore, #tpu.memory_space<semaphore_mem>>
      %dma_start3A_101 = arith.constant 0 : i32
      %dma_start3A_102 = tpu.memref_slice %arg6[%add3A_88, %dma_start3A_101] : memref<4096x896xf32, #tpu.memory_space<hbm>> -> memref<32x896xf32, #tpu.memory_space<hbm>>
      %dma_start3A_103 = arith.constant 0 : i32
      %dma_start3A_104 = tpu.memref_slice %arg6[%add3A_88, %dma_start3A_103] : memref<4096x896xf32, #tpu.memory_space<hbm>> -> memref<32x896xf32, #tpu.memory_space<hbm>>
      tpu.enqueue_dma source(%arg10 : memref<32x896xf32, #tpu.memory_space<vmem>>) target(%dma_start3A_104 : memref<32x896xf32, #tpu.memory_space<hbm>>) target_semaphore(%run_scoped3A : memref<!tpu.dma_semaphore, #tpu.memory_space<semaphore_mem>>)
      %dma_wait3A_105 = arith.constant 0 : i32
      %dma_wait3A_106 = tpu.memref_slice %arg6[%add3A_88, %dma_wait3A_105] : memref<4096x896xf32, #tpu.memory_space<hbm>> -> memref<32x896xf32, #tpu.memory_space<hbm>>
      %dma_wait3A_107 = arith.constant 0 : i32
      %dma_wait3A_108 = tpu.memref_slice %arg6[%add3A_88, %dma_wait3A_107] : memref<4096x896xf32, #tpu.memory_space<hbm>> -> memref<32x896xf32, #tpu.memory_space<hbm>>
      tpu.wait_dma2 semaphore(%run_scoped3A : memref<!tpu.dma_semaphore, #tpu.memory_space<semaphore_mem>>) src(%arg10 : memref<32x896xf32, #tpu.memory_space<vmem>>) dst(%dma_wait3A_108 : memref<32x896xf32, #tpu.memory_space<hbm>>)
      tpu.yield
    }) : () -> ()
    %dma_start3A_89 = arith.constant 96 : i32
    %dma_start3A_90 = tpu.memref_slice %arg9[%dma_start3A_89] : memref<128xi32, #tpu.memory_space<vmem>> -> memref<32xi32, #tpu.memory_space<vmem>>
    %dma_start3A_91 = arith.constant 0 : i32
    %dma_start3A_92 = arith.constant 0 : i32
    %dma_start3A_93 = tpu.memref_slice %arg2[%dma_start3A_91, %dma_start3A_92] : memref<100000x1000xf32, #tpu.memory_space<hbm>> -> memref<100000x896xf32, #tpu.memory_space<hbm>>
    tpu.enqueue_indirect_dma source(%dma_start3A_93 : memref<100000x896xf32, #tpu.memory_space<hbm>>) target(%arg10 : memref<32x896xf32, #tpu.memory_space<vmem>>) offsets(%dma_start3A_90 : memref<32xi32, #tpu.memory_space<vmem>>) semaphore(%arg11 : memref<!tpu.dma_semaphore, #tpu.memory_space<semaphore_mem>>)
    %dma_wait3A_94 = arith.constant 96 : i32
    %dma_wait3A_95 = tpu.memref_slice %arg9[%dma_wait3A_94] : memref<128xi32, #tpu.memory_space<vmem>> -> memref<32xi32, #tpu.memory_space<vmem>>
    %dma_wait3A_96 = arith.constant 0 : i32
    %dma_wait3A_97 = arith.constant 0 : i32
    %dma_wait3A_98 = tpu.memref_slice %arg2[%dma_wait3A_96, %dma_wait3A_97] : memref<100000x1000xf32, #tpu.memory_space<hbm>> -> memref<100000x896xf32, #tpu.memory_space<hbm>>
    tpu.wait_indirect_dma semaphore(%arg11 : memref<!tpu.dma_semaphore, #tpu.memory_space<semaphore_mem>>) src(%dma_wait3A_98 : memref<100000x896xf32, #tpu.memory_space<hbm>>) dst(%arg10 : memref<32x896xf32, #tpu.memory_space<vmem>>)
    %add3A_99 = arith.constant 96 : i32
    %add3A_100 = arith.addi %mul3A_2, %add3A_99 : i32
    "tpu.region"() ({
      %run_scoped3A = tpu.sem_alloc : memref<!tpu.dma_semaphore, #tpu.memory_space<semaphore_mem>>
      %dma_start3A_101 = arith.constant 0 : i32
      %dma_start3A_102 = tpu.memref_slice %arg6[%add3A_100, %dma_start3A_101] : memref<4096x896xf32, #tpu.memory_space<hbm>> -> memref<32x896xf32, #tpu.memory_space<hbm>>
      %dma_start3A_103 = arith.constant 0 : i32
      %dma_start3A_104 = tpu.memref_slice %arg6[%add3A_100, %dma_start3A_103] : memref<4096x896xf32, #tpu.memory_space<hbm>> -> memref<32x896xf32, #tpu.memory_space<hbm>>
      tpu.enqueue_dma source(%arg10 : memref<32x896xf32, #tpu.memory_space<vmem>>) target(%dma_start3A_104 : memref<32x896xf32, #tpu.memory_space<hbm>>) target_semaphore(%run_scoped3A : memref<!tpu.dma_semaphore, #tpu.memory_space<semaphore_mem>>)
      %dma_wait3A_105 = arith.constant 0 : i32
      %dma_wait3A_106 = tpu.memref_slice %arg6[%add3A_100, %dma_wait3A_105] : memref<4096x896xf32, #tpu.memory_space<hbm>> -> memref<32x896xf32, #tpu.memory_space<hbm>>
      %dma_wait3A_107 = arith.constant 0 : i32
      %dma_wait3A_108 = tpu.memref_slice %arg6[%add3A_100, %dma_wait3A_107] : memref<4096x896xf32, #tpu.memory_space<hbm>> -> memref<32x896xf32, #tpu.memory_space<hbm>>
      tpu.wait_dma2 semaphore(%run_scoped3A : memref<!tpu.dma_semaphore, #tpu.memory_space<semaphore_mem>>) src(%arg10 : memref<32x896xf32, #tpu.memory_space<vmem>>) dst(%dma_wait3A_108 : memref<32x896xf32, #tpu.memory_space<hbm>>)
      tpu.yield
    }) : () -> ()
    return
  }
}

</mosaic_0001>

<sc_bundles>
// kernel: kernel.3.cloned.1.call-start
scs
__scs_entry_jumppad:
0x0: {  	(pc) =	sbr.rel $0x88, $3  }
0x1: {  	(tag) =	ssettag $0x0;
	lr =	simm.s32 $0x1  }
0x2: {  	[smem:$0x3F9E] =	sst lr;
	_ =	strace $0xD0000000  }
0x3: {  	_ = 	snop  }
0x4: {  	_ = 	snop  }
0x5: {  	_ = 	snop  }
0x6: {  	_ = 	snop  }
0x7: {  	_ = 	snop  }
__scs_overlays_trampoline_lowered:
0x8: {  	[smem:$0x3FAD] =	sst s0  }
0x9: {  	[smem:$0x3FAE] =	sst s1  }
0xa: {  	[smem:$0x3FAF] =	sst s2  }
0xb: {  	[smem:$0x3FB0] =	sst s3  }
0xc: {  	[smem:$0x3FB1] =	sst s4  }
0xd: {  	[smem:$0x3FB2] =	sst s5  }
0xe: {  	[smem:$0x3FB3] =	sst s6  }
0xf: {  	[smem:$0x3FB4] =	sst s7  }
0x10: {  	[smem:$0x3FB5] =	sst s8  }
0x11: {  	[smem:$0x3FB6] =	sst s9;
	s0 =	simm.s32 @!p0 $0x0  }
0x12: {  	s1 =	sld [smem:$0x3F9C];
	s0 =	simm.s32 @p0 $0x1  }
0x13: {  	[smem:$0x3FB7] =	sst s0;
	s0 =	simm.s32 @!p1 $0x0  }
0x14: {  	s2 =	sld [smem:$0x3F9B];
	s0 =	simm.s32 @p1 $0x1  }
0x15: {  	[smem:$0x3FB8] =	sst s0;
	s0 =	simm.s32 @!p2 $0x0  }
0x16: {  	s3 =	sld [smem:$0x3FDB];
	s0 =	simm.s32 @p2 $0x1  }
0x17: {  	s4 =	simm.s32 $0x1BF5;
	[smem:$0x3FBA] =	sst s0  }
0x18: {  	s0 =	sld [smem:$0x3F9D];
	_ =	swait.ge [sflag:s4], $0x0  }
0x19: {  	s7 =	sld [smem:$0x3F9E]  }
0x1a: {  	s8 =	sadd.s32 $0xFFFFE003, lr  }
0x1b: {  	s9 =	sadd.s32 $0xFFFFFEF7, lr;
	s5 =	simm.s32 $0xFFFFFFFF;
	p2 =	slt.u32 s8, $0xFFFFF086  }
0x1c: {  	p1 =	slt.u32 s9, $0xF7A;
	s5 =	simm.s32 @!p2 $0x0  }
0x1d: {  	s5 =	simm.s32 @p1 $0x1;
	p0 =	seq.s32 s7, s2  }
0x1e: {  	s7 =	smul.u32 @!p0 $0xF7A, s2;
	p2 =	seq.s32 @!p0 s5, $0x0  }
0x1f: {  	s9 =	smul.u32 $0xF7A, s1;
	s8 =	simm.s32 @!p0 $0x1BF5;
	p2 =	por !p2, p0  }
0x20: {  	[sflag:s8] =	ssyncset.s32 @!p0 $0xFFFFF086;
	s6 =	sadd.s32 @!p0 s3, s7;
	s7 =	simm.s32 @!p0 $0x108  }
0x21: {  	s3 =	sadd.s32 s3, s9;
	s6 =	sadd.s32 @!p0 $0x88, s6;
	s7 =	simm.s32 @p2 $0x1082  }
0x22: {  	[simem:s7], [sflag:s8] =	dma.local @!p0 [hbm:s6], $0xF7A  }
0x23: {  	s9 =	sor.u32 $0xD0000000, s2;
	s6 =	simm.s32 $0x108;
	_ =	swait.ge @!p0 [sflag:s8], $0x0  }
0x24: {  	s3 =	sadd.s32 $0x88, s3;
	s6 =	simm.s32 @!p1 $0x1082;
	[sflag:s4] =	ssyncset.s32 $0xFFFFF086  }
0x25: {  	[simem:s6], [sflag:s4] =	dma.local [hbm:s3], $0xF7A  }
0x26: {  	[smem:$0x3F9E] =	sst s1;
	(tag) =	ssettag s2;
	_ =	strace s9  }
0x27: {  	s1 =	sld [smem:$0x3FAE]  }
0x28: {  	s2 =	sld [smem:$0x3FAF]  }
0x29: {  	s4 =	sld [smem:$0x3FB1]  }
0x2a: {  	p0 =	seq.s32 s5, $0x0;
	s5 =	sld [smem:$0x3FB2]  }
0x2b: {  	s6 =	sld [smem:$0x3FB3]  }
0x2c: {  	s7 =	sld [smem:$0x3FB4]  }
0x2d: {  	s3 =	simm.s32 $0x108;
	s8 =	sld [smem:$0x3FB5]  }
0x2e: {  	s3 =	simm.s32 @!p0 $0x1082;
	s9 =	sld [smem:$0x3FB6]  }
0x2f: {  	lr =	sadd.s32 s0, s3;
	s0 =	sld [smem:$0x3FAD]  }
0x30: {  	s3 =	sld [smem:$0x3FB0]  }
0x31: {  	[smem:$0x3FB9] =	sst s10  }
0x32: {  	s10 =	sld [smem:$0x3FB7];
	_ =	sdelay $0x3  }
0x33: {  	p0 =	seq.s32 s10, $0x1;
	s10 =	sld [smem:$0x3FB9];
	_ =	sdelay $0x3  }
0x34: {  	[smem:$0x3FB9] =	sst s10  }
0x35: {  	s10 =	sld [smem:$0x3FB8];
	_ =	sdelay $0x3  }
0x36: {  	p1 =	seq.s32 s10, $0x1;
	s10 =	sld [smem:$0x3FB9];
	_ =	sdelay $0x3  }
0x37: {  	[smem:$0x3FB9] =	sst s10  }
0x38: {  	s10 =	sld [smem:$0x3FBA]  }
0x39: {  	_ = 	snop;
	(pc) =	sbr.ind lr, $3  }
0x3a: {  	_ = 	snop  }
0x3b: {  	_ = 	snop  }
0x3c: {  	p2 =	seq.s32 s10, $0x1;
	s10 =	sld [smem:$0x3FB9]  }
0x3d: {  	_ =	shalt  }
0x3e: {  	_ =	shalt  }
0x3f: {  	_ =	shalt  }
0x40: {  	_ =	shalt  }
0x41: {  	_ =	shalt  }
0x42: {  	_ =	shalt  }
0x43: {  	_ =	shalt  }
0x44: {  	_ =	shalt  }
0x45: {  	_ =	shalt  }
0x46: {  	_ =	shalt  }
0x47: {  	_ =	shalt  }
0x48: {  	_ =	shalt  }
0x49: {  	_ =	shalt  }
0x4a: {  	_ =	shalt  }
0x4b: {  	_ =	shalt  }
0x4c: {  	_ =	shalt  }
0x4d: {  	_ =	shalt  }
0x4e: {  	_ =	shalt  }
0x4f: {  	_ =	shalt  }
0x50: {  	_ =	shalt  }
0x51: {  	_ =	shalt  }
0x52: {  	_ =	shalt  }
0x53: {  	_ =	shalt  }
0x54: {  	_ =	shalt  }
0x55: {  	_ =	shalt  }
0x56: {  	_ =	shalt  }
0x57: {  	_ =	shalt  }
0x58: {  	_ =	shalt  }
0x59: {  	_ =	shalt  }
0x5a: {  	_ =	shalt  }
0x5b: {  	_ =	shalt  }
0x5c: {  	_ =	shalt  }
0x5d: {  	_ =	shalt  }
0x5e: {  	_ =	shalt  }
0x5f: {  	_ =	shalt  }
0x60: {  	_ =	shalt  }
0x61: {  	_ =	shalt  }
0x62: {  	_ =	shalt  }
0x63: {  	_ =	shalt  }
0x64: {  	_ =	shalt  }
0x65: {  	_ =	shalt  }
0x66: {  	_ =	shalt  }
0x67: {  	_ =	shalt  }
0x68: {  	_ =	shalt  }
0x69: {  	_ =	shalt  }
0x6a: {  	_ =	shalt  }
0x6b: {  	_ =	shalt  }
0x6c: {  	_ =	shalt  }
0x6d: {  	_ =	shalt  }
0x6e: {  	_ =	shalt  }
0x6f: {  	_ =	shalt  }
0x70: {  	_ =	shalt  }
0x71: {  	_ =	shalt  }
0x72: {  	_ =	shalt  }
0x73: {  	_ =	shalt  }
0x74: {  	_ =	shalt  }
0x75: {  	_ =	shalt  }
0x76: {  	_ =	shalt  }
0x77: {  	_ =	shalt  }
0x78: {  	_ =	shalt  }
0x79: {  	_ =	shalt  }
0x7a: {  	_ =	shalt  }
0x7b: {  	_ =	shalt  }
0x7c: {  	_ =	shalt  }
0x7d: {  	_ =	shalt  }
0x7e: {  	_ =	shalt  }
0x7f: {  	_ =	shalt  }
0x80: {  	_ =	shalt  }
0x81: {  	_ =	shalt  }
0x82: {  	_ =	shalt  }
0x83: {  	_ =	shalt  }
0x84: {  	_ =	shalt  }
0x85: {  	_ =	shalt  }
0x86: {  	_ =	shalt  }
0x87: {  	_ =	shalt  }
.Lfunc_end0:
.L_simem_size_0:
called_computation_lowered:
.L_overlay_start_0:
0x88: {  	s2 =	sld [smem:$0x3FD9]  }
0x89: {  	s3 =	sld [smem:$0x3FFE];
	_ =	sdelay $0x1  }
0x8a: {  	s1 =	srdreg.scid  }
0x8b: {  	s0 =	sand.u32 $0x1, s1  }
0x8c: {  	s17 =	sshll.u32 s0, $0xA;
	s2 =	sadd.s32 s3, s2  }
0x8d: {  	s2 =	sadd.s32 s2, s17  }
0x8e: {  	[smem:$0x3FC5] =	sst s2  }
0x8f: {  	_ = 	snop  }
0x90: {  	s2 =	sld [smem:$0x3FC8]  }
0x91: {  	s18 =	sld [smem:$0x3FC7];
	(tm) =	ssettm $0x1  }
0x92: {  	s4 =	sld [smem:$0x3FFB];
	_ =	sdelay $0x3  }
0x93: {  	_ =	strace s4  }
0x94: {  	s4 =	sld [smem:$0x3FFC];
	_ =	sdelay $0x3  }
0x95: {  	_ =	strace s4  }
0x96: {  	s4 =	sld [smem:$0x3FFD];
	_ =	sdelay $0x3  }
0x97: {  	_ =	strace s4  }
0x98: {  	_ =	strace $0x8FFFFFFF  }
0x99: {  	s19 =	sld [smem:$0x3FDB];
	_ =	sdelay $0x1  }
0x9a: {  	s5 =	simm.s32 $_scs_section_size  }
0x9b: {  	s6 =	simm.s32 $_size__tile_overlayer_lowered;
	s7 =	simm.s32 $_tile_overlayer_lowered  }
0x9c: {  	s22 =	simm.s32 $0x1BFF;
	s21 =	sshll.u32 s7, $0x1;
	s4 =	sadd.s32 s5, s19  }
0x9d: {  	s8 =	simm.s32 $0x0;
	s20 =	sshll.u32 s6, $0x1;
	s6 =	sadd.s32 s21, s4  }
0x9e: {  	[timem:s8], [sflag:s22] =	dma.local [hbm:s6], s20  }
0x9f: {  	_ =	swait.ge [sflag:s22], s20  }
0xa0: {  	s5 =	ssub.s32 $0x0, s20;
	[sflag:s22] =	ssyncset.done $0x0  }
0xa1: {  	[sflag:s22] =	ssyncadd.s32 s5;
	_ =	sdelay $0x1  }
0xa2: {  	s23 =	simm.s32 $0x1B8B  }
0xa3: {  	_ =	swait.ge [sflag:s23], $0x1  }
0xa4: {  	[sflag:s23] =	ssyncset.done $0x0  }
0xa5: {  	s25 =	simm.s32 $0x1B8E;
	s24 =	sld [smem:$0x3FFE];
	[sflag:s23] =	ssyncadd.s32 $0xFFFFFFFF  }
0xa6: {  	s26 =	simm.s32 $execute0_lowered;
	[smem:$0x3FD2] =	sst s25  }
0xa7: {  	s6 =	sshll.u32 s26, $0x1;
	_ =	strace $0x80000046;
	[dreg:$0x1] =	wrdreg $0xFFFFFFFF  }
0xa8: {  	s28 =	simm.s32 $_size_execute0_lowered;
	s4 =	sadd.s32 s4, s6;
	[dreg:$0x0] =	wrdreg $0x0  }
0xa9: {  	s6 =	sshll.u32 s28, $0x1;
	[dreg:$0x2] =	wrdreg s4  }
0xaa: {  	[dreg:$0x3] =	wrdreg s6  }
0xab: {  	[dreg:$0x4] =	wrdreg $0xC0  }
0xac: {  	_ =	task [dreg:s8], $0x5FFFF  }
0xad: {  	[dreg:$0x1] =	wrdreg $0xFFFFFFFF  }
0xae: {  	[dreg:$0x0] =	wrdreg $0x60  }
0xaf: {  	[dreg:$0x2] =	wrdreg s24  }
0xb0: {  	[dreg:$0x3] =	wrdreg s18  }
0xb1: {  	[dreg:$0x4] =	wrdreg s2  }
0xb2: {  	[dreg:$0x5] =	wrdreg $0x9  }
0xb3: {  	_ =	task.clear_ibuf [dreg:s8], $0x6FFFF;
	_ =	strace $0x90000046  }
0xb4: {  	s29 =	simm.s32 $0x9;
	_ =	strace $0x80000048  }
0xb5: {  	_ =	swait.ge [sflag:s29], $0x1  }
0xb6: {  	[sflag:s29] =	ssyncadd.s32 $0xFFFFFFFF  }
0xb7: {  	_ =	strace $0x90000048  }
0xb8: {  	_ =	sfence  }
0xb9: {  	s30 =	sld [smem:$0x0];
	_ =	sdelay $0x2  }
0xba: {  	s31 =	sshll.u32 s1, $0xD;
	s1 =	sshrl.u32 s1, $0x2  }
0xbb: {  	s3 =	sand.u32 $0x4000, s31;
	s1 =	sadd.s32 s1, s30  }
0xbc: {  	s0 =	sor.u32 s3, s0;
	s1 =	sshll.u32 s1, $0x11  }
0xbd: {  	s0 =	sor.u32 s1, s0  }
0xbe: {  	s0 =	sadd.s32 $0x8F2B, s0  }
0xbf: {  	[sflag:s0] =	ssyncadd.remote.s32 $0x1  }
0xc0: {  	_ =	sfence.sel $0xFFFF  }
0xc1: {  	[dreg:$0x0] =	wrdreg $0xFFFFFFFF;
	(pc) =	sbr.abs _section_cstart, $3  }
0xc2: {  	[dreg:$0x1] =	wrdreg $0xFFFFFFFF  }
0xc3: {  	_ =	task.clear_ibuf [dreg:s8], $0x2FFFF;
	_ =	strace $0x9FFFFFFF  }
0xc4: {  	(tm) =	ssettm $0x7FFFFFFF  }
0xc5: {  	_ =	shalt  }
tec
execute0_lowered:
.L_overlay_start_1:
0x0: {  	(tag) =	ssettag $0x1  }
0x1: {  	s0 =	rddreg [dreg:$0x0]  }
0x2: {  	s1 =	rddreg [dreg:$0x1]  }
0x3: {  	s5 =	rddreg [dreg:$0x2];
	s3 =	simm.s32 $0x0;
	s4 =	srdreg.scid  }
0x4: {  	s2 =	stileid.u32;
	s15 =	simm.s32 $0x1;
	s16 =	simm.s32 $0x180  }
0x5: {  	s17 =	simm.s32 $0x980;
	s18 =	simm.s32 $0x1180;
	s19 =	simm.s32 $0x1980  }
0x6: {  	s28 =	simm.s32 $0x5180;
	s29 =	simm.s32 $0x5580;
	s30 =	simm.s32 $0x5D80  }
0x7: {  	s31 =	simm.s32 $0x6580;
	[smem:$0x7FF] =	sst s3;
	s6 =	sand.u32 $0x1, s4  }
0x8: {  	s7 =	sshll.u32 s2, $0x5;
	s4 =	sadd.s32 $0x800, s0;
	s8 =	sshll.u32 s6, $0x4  }
0x9: {  	s9 =	sadd.s32 $0xC35800, s0;
	s10 =	sadd.s32 $0xCA5800, s0;
	s7 =	sor.u32 s8, s7  }
0xa: {  	_ =	strace $0x80000047;
	s6 =	ssub.s32 $0x2, s6;
	s8 =	smul.u32 $0x1C00, s7  }
0xb: {  	s11 =	sshrl.u32 s6, $0x1;
	s12 =	sadd.s32 s1, s7;
	s13 =	smul.u32 $0x380, s7  }
0xc: {  	s5 =	sadd.s32 s5, s7;
	s11 =	ssub.s32 s6, s11;
	[dreg:$0x4] =	wrdreg s12  }
0xd: {  	s6 =	sadd.s32 $0xA00, s0;
	s7 =	sadd.s32 $0xB00, s0;
	[dreg:$0x5] =	wrdreg s5  }
0xe: {  	s5 =	sadd.s32 $0x900, s0;
	s11 =	smax.u32 s11, $0x1;
	s12 =	simm.s32 $0x2  }
0xf: {  	s0 =	simm.s32 $0x6D80;
	s20 =	sshrl.u32 s8, $0x3;
	s21 =	sadd.s32 s9, s13  }
0x10: {  	s26 =	sadd.s32 s10, s13;
	s13 =	simm.s32 $0x80;
	s8 =	sadd.s32 $0xE00, s20  }
0x11: {  	[dreg:$0x6] =	wrdreg s21;
	s23 =	sadd.s32 $0x1C00, s20;
	s14 =	sadd.s32 $0x2A00, s20  }
0x12: {  	[dreg:$0xa] =	wrdreg s26;
	s20 =	simm.s32 $0x1D80;
	s21 =	simm.s32 $0x2580  }
0x13: {  	s26 =	simm.s32 $0x4980;
	s22 =	sadd.s32 s9, s8;
	s24 =	sadd.s32 s9, s23  }
0x14: {  	s25 =	sadd.s32 s9, s14;
	s8 =	sadd.s32 s10, s8;
	[dreg:$0x7] =	wrdreg s22  }
0x15: {  	v2 =	vlaneseq.u32;
	s9 =	sadd.s32 s10, s23;
	s10 =	sadd.s32 s10, s14;
	[dreg:$0x8] =	wrdreg s24  }
0x16: {  	vm0 =	vmmov $0xffff;
	vm1 =	vmmov $0xff;
	v1 =	vshrl.u32 v2, $0x3;
	s14 =	simm.s32 $0x100;
	s23 =	simm.s32 $0x3580;
	[dreg:$0x9] =	wrdreg s25  }
0x17: {  	v0 =	vand.u32 $0x7, v2;
	v2 =	vor.u32 $0x8, v2;
	v1 =	vmul.u32 $0x8, v1;
	s22 =	simm.s32 $0x2D80;
	s24 =	simm.s32 $0x3980;
	s25 =	simm.s32 $0x4180  }
.LBB2_1:
0x18: {  	s2 =	rddreg [dreg:$0x4]  }
0x19: {  	[tilespmem:s3], [sflag:$0x2] =	stream.linear.gather [hbm4b:s2+s3], $0x80, $0x38;
	[tilespmem:$0x7180] =	vst v63  }
0x1a: {  	_ =	swait.ge [sflag:s12], $0x80  }
0x1b: {  	[sflag:s12] =	ssyncset.done $0x0  }
0x1c: {  	s2 =	rddreg [dreg:$0x5];
	[sflag:s12] =	ssyncadd.s32 $0xFFFFFF80  }
0x1d: {  	[tilespmem:s13], [sflag:$0x2] =	stream.linear.gather [hbm4b:s2+s3], $0x80, $0x38;
	[tilespmem:$0x7180] =	vst v63  }
0x1e: {  	_ =	swait.ge [sflag:s12], $0x80  }
0x1f: {  	[sflag:s12] =	ssyncset.done $0x0  }
0x20: {  	[sflag:s12] =	ssyncadd.s32 $0xFFFFFF80  }
0x21: {  	[tilespmem:s14], [sflag:$0x1] =	stream.indirect.gather [hbm4b:s1+s13], $0x1, s13, s13, $0xb8;
	[tilespmem:$0x7180] =	vst v63  }
0x22: {  	_ =	swait.ge [sflag:s15], $0x80  }
0x23: {  	[sflag:s15] =	ssyncset.done $0x0  }
0x24: {  	[sflag:s15] =	ssyncadd.s32 $0xFFFFFF80  }
0x25: {  	v3 =	vld [tilespmem:$0x0];
	_ =	sdelay $0x4  }
0x26: {  	v4 =	vshll.u32 v3, $0x3  }
0x27: {  	v3 =	vand.u32 $0x7, v3;
	v4 =	vand.u32 $0xFFFFFFC0, v4  }
0x28: {  	v3 =	vor.u32 v3, v4  }
0x29: {  	v4 =	vperm.xlane v3, v0;
	_ =	sdelay $0x1  }
0x2a: {  	v4 =	vadd.s32 v1, v4;
	_ =	sdelay $0x4  }
0x2b: {  	[tilespmem:s16], [sflag:$0x1] =	stream.indirect_vreg.gather [hbm4b:s4+s3], $0x80, v4, vm0, $0xb8;
	[tilespmem:$0x7180] =	vst v63  }
0x2c: {  	v3 =	vperm.xlane v3, v2  }
0x2d: {  	[tilespmem:s17], [sflag:$0x1] =	stream.indirect_vreg.gather [hbm4b:s5+s3], $0x80, v4, vm0, $0xb8;
	[tilespmem:$0x7180] =	vst v63  }
0x2e: {  	v3 =	vadd.s32 v1, v3  }
0x2f: {  	[tilespmem:s18], [sflag:$0x1] =	stream.indirect_vreg.gather [hbm4b:s6+s3], $0x80, v4, vm0, $0xb8;
	[tilespmem:$0x7180] =	vst v63  }
0x30: {  	_ = 	snop  }
0x31: {  	[tilespmem:s19], [sflag:$0x1] =	stream.indirect_vreg.gather [hbm4b:s7+s3], $0x80, v4, vm1, $0xb8;
	[tilespmem:$0x7180] =	vst v63  }
0x32: {  	_ = 	snop  }
0x33: {  	[tilespmem:s20], [sflag:$0x1] =	stream.indirect_vreg.gather [hbm4b:s4+s3], $0x80, v3, vm0, $0xb8;
	[tilespmem:$0x7180] =	vst v63  }
0x34: {  	_ = 	snop  }
0x35: {  	[tilespmem:s21], [sflag:$0x1] =	stream.indirect_vreg.gather [hbm4b:s5+s3], $0x80, v3, vm0, $0xb8;
	[tilespmem:$0x7180] =	vst v63  }
0x36: {  	_ = 	snop  }
0x37: {  	[tilespmem:s22], [sflag:$0x1] =	stream.indirect_vreg.gather [hbm4b:s6+s3], $0x80, v3, vm0, $0xb8;
	[tilespmem:$0x7180] =	vst v63  }
0x38: {  	_ = 	snop  }
0x39: {  	[tilespmem:s23], [sflag:$0x1] =	stream.indirect_vreg.gather [hbm4b:s7+s3], $0x80, v3, vm1, $0xb8;
	[tilespmem:$0x7180] =	vst v63  }
0x3a: {  	v3 =	vld [tilespmem:$0x10];
	_ =	sdelay $0x4  }
0x3b: {  	v49 =	vshll.u32 v3, $0x3  }
0x3c: {  	v3 =	vand.u32 $0x7, v3;
	v4 =	vand.u32 $0xFFFFFFC0, v49  }
0x3d: {  	v3 =	vor.u32 v3, v4  }
0x3e: {  	v4 =	vperm.xlane v3, v0;
	_ =	sdelay $0x1  }
0x3f: {  	v4 =	vadd.s32 v1, v4;
	_ =	sdelay $0x4  }
0x40: {  	[tilespmem:s24], [sflag:$0x1] =	stream.indirect_vreg.gather [hbm4b:s4+s3], $0x80, v4, vm0, $0xb8;
	[tilespmem:$0x7180] =	vst v63  }
0x41: {  	v3 =	vperm.xlane v3, v2  }
0x42: {  	[tilespmem:s25], [sflag:$0x1] =	stream.indirect_vreg.gather [hbm4b:s5+s3], $0x80, v4, vm0, $0xb8;
	[tilespmem:$0x7180] =	vst v63  }
0x43: {  	v3 =	vadd.s32 v1, v3  }
0x44: {  	[tilespmem:s26], [sflag:$0x1] =	stream.indirect_vreg.gather [hbm4b:s6+s3], $0x80, v4, vm0, $0xb8;
	[tilespmem:$0x7180] =	vst v63  }
0x45: {  	_ = 	snop  }
0x46: {  	[tilespmem:s28], [sflag:$0x1] =	stream.indirect_vreg.gather [hbm4b:s7+s3], $0x80, v4, vm1, $0xb8;
	[tilespmem:$0x7180] =	vst v63  }
0x47: {  	_ = 	snop  }
0x48: {  	[tilespmem:s29], [sflag:$0x1] =	stream.indirect_vreg.gather [hbm4b:s4+s3], $0x80, v3, vm0, $0xb8;
	[tilespmem:$0x7180] =	vst v63  }
0x49: {  	_ = 	snop  }
0x4a: {  	[tilespmem:s30], [sflag:$0x1] =	stream.indirect_vreg.gather [hbm4b:s5+s3], $0x80, v3, vm0, $0xb8;
	[tilespmem:$0x7180] =	vst v63  }
0x4b: {  	_ = 	snop  }
0x4c: {  	[tilespmem:s31], [sflag:$0x1] =	stream.indirect_vreg.gather [hbm4b:s6+s3], $0x80, v3, vm0, $0xb8;
	[tilespmem:$0x7180] =	vst v63  }
0x4d: {  	_ = 	snop  }
0x4e: {  	[tilespmem:s0], [sflag:$0x1] =	stream.indirect_vreg.gather [hbm4b:s7+s3], $0x80, v3, vm1, $0xb8;
	[tilespmem:$0x7180] =	vst v63  }
0x4f: {  	_ =	swait.ge [sflag:s15], $0x7000  }
0x50: {  	[sflag:s15] =	ssyncset.done $0x0  }
0x51: {  	s2 =	rddreg [dreg:$0x6];
	[sflag:s15] =	ssyncadd.s32 $0xFFFF9000  }
0x52: {  	[hbm4b:s2+s3] =	stream.linear.scatter [tilespmem:s16], [sflag:$0x2], $0x7000, $0x38;
	[tilespmem:$0x7180] =	vst v63  }
0x53: {  	_ =	swait.ge [sflag:s12], $0x7000  }
0x54: {  	[sflag:s12] =	ssyncset.done $0x0  }
0x55: {  	[sflag:s12] =	ssyncadd.s32 $0xFFFF9000  }
0x56: {  	v3 =	vld [tilespmem:$0x20];
	_ =	sdelay $0x4  }
0x57: {  	v50 =	vshll.u32 v3, $0x3  }
0x58: {  	v3 =	vand.u32 $0x7, v3;
	v4 =	vand.u32 $0xFFFFFFC0, v50  }
0x59: {  	v3 =	vor.u32 v3, v4  }
0x5a: {  	v4 =	vperm.xlane v3, v0;
	_ =	sdelay $0x1  }
0x5b: {  	v4 =	vadd.s32 v1, v4;
	_ =	sdelay $0x4  }
0x5c: {  	[tilespmem:s16], [sflag:$0x1] =	stream.indirect_vreg.gather [hbm4b:s4+s3], $0x80, v4, vm0, $0xb8;
	[tilespmem:$0x7180] =	vst v63  }
0x5d: {  	v3 =	vperm.xlane v3, v2  }
0x5e: {  	[tilespmem:s17], [sflag:$0x1] =	stream.indirect_vreg.gather [hbm4b:s5+s3], $0x80, v4, vm0, $0xb8;
	[tilespmem:$0x7180] =	vst v63  }
0x5f: {  	v3 =	vadd.s32 v1, v3  }
0x60: {  	[tilespmem:s18], [sflag:$0x1] =	stream.indirect_vreg.gather [hbm4b:s6+s3], $0x80, v4, vm0, $0xb8;
	[tilespmem:$0x7180] =	vst v63  }
0x61: {  	_ = 	snop  }
0x62: {  	[tilespmem:s19], [sflag:$0x1] =	stream.indirect_vreg.gather [hbm4b:s7+s3], $0x80, v4, vm1, $0xb8;
	[tilespmem:$0x7180] =	vst v63  }
0x63: {  	_ = 	snop  }
0x64: {  	[tilespmem:s20], [sflag:$0x1] =	stream.indirect_vreg.gather [hbm4b:s4+s3], $0x80, v3, vm0, $0xb8;
	[tilespmem:$0x7180] =	vst v63  }
0x65: {  	_ = 	snop  }
0x66: {  	[tilespmem:s21], [sflag:$0x1] =	stream.indirect_vreg.gather [hbm4b:s5+s3], $0x80, v3, vm0, $0xb8;
	[tilespmem:$0x7180] =	vst v63  }
0x67: {  	_ = 	snop  }
0x68: {  	[tilespmem:s22], [sflag:$0x1] =	stream.indirect_vreg.gather [hbm4b:s6+s3], $0x80, v3, vm0, $0xb8;
	[tilespmem:$0x7180] =	vst v63  }
0x69: {  	_ = 	snop  }
0x6a: {  	[tilespmem:s23], [sflag:$0x1] =	stream.indirect_vreg.gather [hbm4b:s7+s3], $0x80, v3, vm1, $0xb8;
	[tilespmem:$0x7180] =	vst v63  }
0x6b: {  	v3 =	vld [tilespmem:$0x30];
	_ =	sdelay $0x4  }
0x6c: {  	v51 =	vshll.u32 v3, $0x3  }
0x6d: {  	v3 =	vand.u32 $0x7, v3;
	v4 =	vand.u32 $0xFFFFFFC0, v51  }
0x6e: {  	v3 =	vor.u32 v3, v4  }
0x6f: {  	v4 =	vperm.xlane v3, v0;
	_ =	sdelay $0x1  }
0x70: {  	v4 =	vadd.s32 v1, v4;
	_ =	sdelay $0x4  }
0x71: {  	[tilespmem:s24], [sflag:$0x1] =	stream.indirect_vreg.gather [hbm4b:s4+s3], $0x80, v4, vm0, $0xb8;
	[tilespmem:$0x7180] =	vst v63  }
0x72: {  	v3 =	vperm.xlane v3, v2  }
0x73: {  	[tilespmem:s25], [sflag:$0x1] =	stream.indirect_vreg.gather [hbm4b:s5+s3], $0x80, v4, vm0, $0xb8;
	[tilespmem:$0x7180] =	vst v63  }
0x74: {  	v3 =	vadd.s32 v1, v3  }
0x75: {  	[tilespmem:s26], [sflag:$0x1] =	stream.indirect_vreg.gather [hbm4b:s6+s3], $0x80, v4, vm0, $0xb8;
	[tilespmem:$0x7180] =	vst v63  }
0x76: {  	_ = 	snop  }
0x77: {  	[tilespmem:s28], [sflag:$0x1] =	stream.indirect_vreg.gather [hbm4b:s7+s3], $0x80, v4, vm1, $0xb8;
	[tilespmem:$0x7180] =	vst v63  }
0x78: {  	_ = 	snop  }
0x79: {  	[tilespmem:s29], [sflag:$0x1] =	stream.indirect_vreg.gather [hbm4b:s4+s3], $0x80, v3, vm0, $0xb8;
	[tilespmem:$0x7180] =	vst v63  }
0x7a: {  	_ = 	snop  }
0x7b: {  	[tilespmem:s30], [sflag:$0x1] =	stream.indirect_vreg.gather [hbm4b:s5+s3], $0x80, v3, vm0, $0xb8;
	[tilespmem:$0x7180] =	vst v63  }
0x7c: {  	_ = 	snop  }
0x7d: {  	[tilespmem:s31], [sflag:$0x1] =	stream.indirect_vreg.gather [hbm4b:s6+s3], $0x80, v3, vm0, $0xb8;
	[tilespmem:$0x7180] =	vst v63  }
0x7e: {  	_ = 	snop  }
0x7f: {  	[tilespmem:s0], [sflag:$0x1] =	stream.indirect_vreg.gather [hbm4b:s7+s3], $0x80, v3, vm1, $0xb8;
	[tilespmem:$0x7180] =	vst v63  }
0x80: {  	_ =	swait.ge [sflag:s15], $0x7000  }
0x81: {  	[sflag:s15] =	ssyncset.done $0x0  }
0x82: {  	s2 =	rddreg [dreg:$0x7];
	[sflag:s15] =	ssyncadd.s32 $0xFFFF9000  }
0x83: {  	[hbm4b:s2+s3] =	stream.linear.scatter [tilespmem:s16], [sflag:$0x2], $0x7000, $0x38;
	[tilespmem:$0x7180] =	vst v63  }
0x84: {  	_ =	swait.ge [sflag:s12], $0x7000  }
0x85: {  	[sflag:s12] =	ssyncset.done $0x0  }
0x86: {  	[sflag:s12] =	ssyncadd.s32 $0xFFFF9000  }
0x87: {  	v3 =	vld [tilespmem:$0x40];
	_ =	sdelay $0x4  }
0x88: {  	v52 =	vshll.u32 v3, $0x3  }
0x89: {  	v3 =	vand.u32 $0x7, v3;
	v4 =	vand.u32 $0xFFFFFFC0, v52  }
0x8a: {  	v3 =	vor.u32 v3, v4  }
0x8b: {  	v4 =	vperm.xlane v3, v0;
	_ =	sdelay $0x1  }
0x8c: {  	v4 =	vadd.s32 v1, v4;
	_ =	sdelay $0x4  }
0x8d: {  	[tilespmem:s16], [sflag:$0x1] =	stream.indirect_vreg.gather [hbm4b:s4+s3], $0x80, v4, vm0, $0xb8;
	[tilespmem:$0x7180] =	vst v63  }
0x8e: {  	v3 =	vperm.xlane v3, v2  }
0x8f: {  	[tilespmem:s17], [sflag:$0x1] =	stream.indirect_vreg.gather [hbm4b:s5+s3], $0x80, v4, vm0, $0xb8;
	[tilespmem:$0x7180] =	vst v63  }
0x90: {  	v3 =	vadd.s32 v1, v3  }
0x91: {  	[tilespmem:s18], [sflag:$0x1] =	stream.indirect_vreg.gather [hbm4b:s6+s3], $0x80, v4, vm0, $0xb8;
	[tilespmem:$0x7180] =	vst v63  }
0x92: {  	_ = 	snop  }
0x93: {  	[tilespmem:s19], [sflag:$0x1] =	stream.indirect_vreg.gather [hbm4b:s7+s3], $0x80, v4, vm1, $0xb8;
	[tilespmem:$0x7180] =	vst v63  }
0x94: {  	_ = 	snop  }
0x95: {  	[tilespmem:s20], [sflag:$0x1] =	stream.indirect_vreg.gather [hbm4b:s4+s3], $0x80, v3, vm0, $0xb8;
	[tilespmem:$0x7180] =	vst v63  }
0x96: {  	_ = 	snop  }
0x97: {  	[tilespmem:s21], [sflag:$0x1] =	stream.indirect_vreg.gather [hbm4b:s5+s3], $0x80, v3, vm0, $0xb8;
	[tilespmem:$0x7180] =	vst v63  }
0x98: {  	_ = 	snop  }
0x99: {  	[tilespmem:s22], [sflag:$0x1] =	stream.indirect_vreg.gather [hbm4b:s6+s3], $0x80, v3, vm0, $0xb8;
	[tilespmem:$0x7180] =	vst v63  }
0x9a: {  	_ = 	snop  }
0x9b: {  	[tilespmem:s23], [sflag:$0x1] =	stream.indirect_vreg.gather [hbm4b:s7+s3], $0x80, v3, vm1, $0xb8;
	[tilespmem:$0x7180] =	vst v63  }
0x9c: {  	v3 =	vld [tilespmem:$0x50];
	_ =	sdelay $0x4  }
0x9d: {  	v53 =	vshll.u32 v3, $0x3  }
0x9e: {  	v3 =	vand.u32 $0x7, v3;
	v4 =	vand.u32 $0xFFFFFFC0, v53  }
0x9f: {  	v3 =	vor.u32 v3, v4  }
0xa0: {  	v4 =	vperm.xlane v3, v0;
	_ =	sdelay $0x1  }
0xa1: {  	v4 =	vadd.s32 v1, v4;
	_ =	sdelay $0x4  }
0xa2: {  	[tilespmem:s24], [sflag:$0x1] =	stream.indirect_vreg.gather [hbm4b:s4+s3], $0x80, v4, vm0, $0xb8;
	[tilespmem:$0x7180] =	vst v63  }
0xa3: {  	v3 =	vperm.xlane v3, v2  }
0xa4: {  	[tilespmem:s25], [sflag:$0x1] =	stream.indirect_vreg.gather [hbm4b:s5+s3], $0x80, v4, vm0, $0xb8;
	[tilespmem:$0x7180] =	vst v63  }
0xa5: {  	v3 =	vadd.s32 v1, v3  }
0xa6: {  	[tilespmem:s26], [sflag:$0x1] =	stream.indirect_vreg.gather [hbm4b:s6+s3], $0x80, v4, vm0, $0xb8;
	[tilespmem:$0x7180] =	vst v63  }
0xa7: {  	_ = 	snop  }
0xa8: {  	[tilespmem:s28], [sflag:$0x1] =	stream.indirect_vreg.gather [hbm4b:s7+s3], $0x80, v4, vm1, $0xb8;
	[tilespmem:$0x7180] =	vst v63  }
0xa9: {  	_ = 	snop  }
0xaa: {  	[tilespmem:s29], [sflag:$0x1] =	stream.indirect_vreg.gather [hbm4b:s4+s3], $0x80, v3, vm0, $0xb8;
	[tilespmem:$0x7180] =	vst v63  }
0xab: {  	_ = 	snop  }
0xac: {  	[tilespmem:s30], [sflag:$0x1] =	stream.indirect_vreg.gather [hbm4b:s5+s3], $0x80, v3, vm0, $0xb8;
	[tilespmem:$0x7180] =	vst v63  }
0xad: {  	_ = 	snop  }
0xae: {  	[tilespmem:s31], [sflag:$0x1] =	stream.indirect_vreg.gather [hbm4b:s6+s3], $0x80, v3, vm0, $0xb8;
	[tilespmem:$0x7180] =	vst v63  }
0xaf: {  	_ = 	snop  }
0xb0: {  	[tilespmem:s0], [sflag:$0x1] =	stream.indirect_vreg.gather [hbm4b:s7+s3], $0x80, v3, vm1, $0xb8;
	[tilespmem:$0x7180] =	vst v63  }
0xb1: {  	_ =	swait.ge [sflag:s15], $0x7000  }
0xb2: {  	[sflag:s15] =	ssyncset.done $0x0  }
0xb3: {  	s2 =	rddreg [dreg:$0x8];
	[sflag:s15] =	ssyncadd.s32 $0xFFFF9000  }
0xb4: {  	[hbm4b:s2+s3] =	stream.linear.scatter [tilespmem:s16], [sflag:$0x2], $0x7000, $0x38;
	[tilespmem:$0x7180] =	vst v63  }
0xb5: {  	_ =	swait.ge [sflag:s12], $0x7000  }
0xb6: {  	[sflag:s12] =	ssyncset.done $0x0  }
0xb7: {  	[sflag:s12] =	ssyncadd.s32 $0xFFFF9000  }
0xb8: {  	v3 =	vld [tilespmem:$0x60];
	_ =	sdelay $0x4  }
0xb9: {  	v54 =	vshll.u32 v3, $0x3  }
0xba: {  	v3 =	vand.u32 $0x7, v3;
	v4 =	vand.u32 $0xFFFFFFC0, v54  }
0xbb: {  	v3 =	vor.u32 v3, v4  }
0xbc: {  	v4 =	vperm.xlane v3, v0;
	_ =	sdelay $0x1  }
0xbd: {  	v4 =	vadd.s32 v1, v4;
	_ =	sdelay $0x4  }
0xbe: {  	[tilespmem:s16], [sflag:$0x1] =	stream.indirect_vreg.gather [hbm4b:s4+s3], $0x80, v4, vm0, $0xb8;
	[tilespmem:$0x7180] =	vst v63  }
0xbf: {  	v3 =	vperm.xlane v3, v2  }
0xc0: {  	[tilespmem:s17], [sflag:$0x1] =	stream.indirect_vreg.gather [hbm4b:s5+s3], $0x80, v4, vm0, $0xb8;
	[tilespmem:$0x7180] =	vst v63  }
0xc1: {  	v3 =	vadd.s32 v1, v3  }
0xc2: {  	[tilespmem:s18], [sflag:$0x1] =	stream.indirect_vreg.gather [hbm4b:s6+s3], $0x80, v4, vm0, $0xb8;
	[tilespmem:$0x7180] =	vst v63  }
0xc3: {  	_ = 	snop  }
0xc4: {  	[tilespmem:s19], [sflag:$0x1] =	stream.indirect_vreg.gather [hbm4b:s7+s3], $0x80, v4, vm1, $0xb8;
	[tilespmem:$0x7180] =	vst v63  }
0xc5: {  	_ = 	snop  }
0xc6: {  	[tilespmem:s20], [sflag:$0x1] =	stream.indirect_vreg.gather [hbm4b:s4+s3], $0x80, v3, vm0, $0xb8;
	[tilespmem:$0x7180] =	vst v63  }
0xc7: {  	_ = 	snop  }
0xc8: {  	[tilespmem:s21], [sflag:$0x1] =	stream.indirect_vreg.gather [hbm4b:s5+s3], $0x80, v3, vm0, $0xb8;
	[tilespmem:$0x7180] =	vst v63  }
0xc9: {  	_ = 	snop  }
0xca: {  	[tilespmem:s22], [sflag:$0x1] =	stream.indirect_vreg.gather [hbm4b:s6+s3], $0x80, v3, vm0, $0xb8;
	[tilespmem:$0x7180] =	vst v63  }
0xcb: {  	_ = 	snop  }
0xcc: {  	[tilespmem:s23], [sflag:$0x1] =	stream.indirect_vreg.gather [hbm4b:s7+s3], $0x80, v3, vm1, $0xb8;
	[tilespmem:$0x7180] =	vst v63  }
0xcd: {  	v3 =	vld [tilespmem:$0x70];
	_ =	sdelay $0x4  }
0xce: {  	v55 =	vshll.u32 v3, $0x3  }
0xcf: {  	v3 =	vand.u32 $0x7, v3;
	v4 =	vand.u32 $0xFFFFFFC0, v55  }
0xd0: {  	v3 =	vor.u32 v3, v4  }
0xd1: {  	v4 =	vperm.xlane v3, v0;
	_ =	sdelay $0x1  }
0xd2: {  	v4 =	vadd.s32 v1, v4;
	_ =	sdelay $0x4  }
0xd3: {  	[tilespmem:s24], [sflag:$0x1] =	stream.indirect_vreg.gather [hbm4b:s4+s3], $0x80, v4, vm0, $0xb8;
	[tilespmem:$0x7180] =	vst v63  }
0xd4: {  	v3 =	vperm.xlane v3, v2  }
0xd5: {  	[tilespmem:s25], [sflag:$0x1] =	stream.indirect_vreg.gather [hbm4b:s5+s3], $0x80, v4, vm0, $0xb8;
	[tilespmem:$0x7180] =	vst v63  }
0xd6: {  	v3 =	vadd.s32 v1, v3  }
0xd7: {  	[tilespmem:s26], [sflag:$0x1] =	stream.indirect_vreg.gather [hbm4b:s6+s3], $0x80, v4, vm0, $0xb8;
	[tilespmem:$0x7180] =	vst v63  }
0xd8: {  	_ = 	snop  }
0xd9: {  	[tilespmem:s28], [sflag:$0x1] =	stream.indirect_vreg.gather [hbm4b:s7+s3], $0x80, v4, vm1, $0xb8;
	[tilespmem:$0x7180] =	vst v63  }
0xda: {  	_ = 	snop  }
0xdb: {  	[tilespmem:s29], [sflag:$0x1] =	stream.indirect_vreg.gather [hbm4b:s4+s3], $0x80, v3, vm0, $0xb8;
	[tilespmem:$0x7180] =	vst v63  }
0xdc: {  	_ = 	snop  }
0xdd: {  	[tilespmem:s30], [sflag:$0x1] =	stream.indirect_vreg.gather [hbm4b:s5+s3], $0x80, v3, vm0, $0xb8;
	[tilespmem:$0x7180] =	vst v63  }
0xde: {  	_ = 	snop  }
0xdf: {  	[tilespmem:s31], [sflag:$0x1] =	stream.indirect_vreg.gather [hbm4b:s6+s3], $0x80, v3, vm0, $0xb8;
	[tilespmem:$0x7180] =	vst v63  }
0xe0: {  	_ = 	snop  }
0xe1: {  	[tilespmem:s0], [sflag:$0x1] =	stream.indirect_vreg.gather [hbm4b:s7+s3], $0x80, v3, vm1, $0xb8;
	[tilespmem:$0x7180] =	vst v63  }
0xe2: {  	_ =	swait.ge [sflag:s15], $0x7000  }
0xe3: {  	[sflag:s15] =	ssyncset.done $0x0  }
0xe4: {  	s2 =	rddreg [dreg:$0x9];
	[sflag:s15] =	ssyncadd.s32 $0xFFFF9000  }
0xe5: {  	[hbm4b:s2+s3] =	stream.linear.scatter [tilespmem:s16], [sflag:$0x2], $0x7000, $0x38;
	[tilespmem:$0x7180] =	vst v63  }
0xe6: {  	_ =	swait.ge [sflag:s12], $0x7000  }
0xe7: {  	[sflag:s12] =	ssyncset.done $0x0  }
0xe8: {  	[sflag:s12] =	ssyncadd.s32 $0xFFFF9000  }
0xe9: {  	v3 =	vld [tilespmem:$0x100];
	_ =	sdelay $0x4  }
0xea: {  	v56 =	vshll.u32 v3, $0x3  }
0xeb: {  	v3 =	vand.u32 $0x7, v3;
	v4 =	vand.u32 $0xFFFFFFC0, v56  }
0xec: {  	v3 =	vor.u32 v3, v4  }
0xed: {  	v4 =	vperm.xlane v3, v0;
	_ =	sdelay $0x1  }
0xee: {  	v4 =	vadd.s32 v1, v4;
	_ =	sdelay $0x4  }
0xef: {  	[tilespmem:s16], [sflag:$0x1] =	stream.indirect_vreg.gather [hbm4b:s4+s3], $0x80, v4, vm0, $0xb8;
	[tilespmem:$0x7180] =	vst v63  }
0xf0: {  	v3 =	vperm.xlane v3, v2  }
0xf1: {  	[tilespmem:s17], [sflag:$0x1] =	stream.indirect_vreg.gather [hbm4b:s5+s3], $0x80, v4, vm0, $0xb8;
	[tilespmem:$0x7180] =	vst v63  }
0xf2: {  	v3 =	vadd.s32 v1, v3  }
0xf3: {  	[tilespmem:s18], [sflag:$0x1] =	stream.indirect_vreg.gather [hbm4b:s6+s3], $0x80, v4, vm0, $0xb8;
	[tilespmem:$0x7180] =	vst v63  }
0xf4: {  	_ = 	snop  }
0xf5: {  	[tilespmem:s19], [sflag:$0x1] =	stream.indirect_vreg.gather [hbm4b:s7+s3], $0x80, v4, vm1, $0xb8;
	[tilespmem:$0x7180] =	vst v63  }
0xf6: {  	_ = 	snop  }
0xf7: {  	[tilespmem:s20], [sflag:$0x1] =	stream.indirect_vreg.gather [hbm4b:s4+s3], $0x80, v3, vm0, $0xb8;
	[tilespmem:$0x7180] =	vst v63  }
0xf8: {  	_ = 	snop  }
0xf9: {  	[tilespmem:s21], [sflag:$0x1] =	stream.indirect_vreg.gather [hbm4b:s5+s3], $0x80, v3, vm0, $0xb8;
	[tilespmem:$0x7180] =	vst v63  }
0xfa: {  	_ = 	snop  }
0xfb: {  	[tilespmem:s22], [sflag:$0x1] =	stream.indirect_vreg.gather [hbm4b:s6+s3], $0x80, v3, vm0, $0xb8;
	[tilespmem:$0x7180] =	vst v63  }
0xfc: {  	_ = 	snop  }
0xfd: {  	[tilespmem:s23], [sflag:$0x1] =	stream.indirect_vreg.gather [hbm4b:s7+s3], $0x80, v3, vm1, $0xb8;
	[tilespmem:$0x7180] =	vst v63  }
0xfe: {  	v3 =	vld [tilespmem:$0x110];
	_ =	sdelay $0x4  }
0xff: {  	v57 =	vshll.u32 v3, $0x3  }
0x100: {  	v3 =	vand.u32 $0x7, v3;
	v4 =	vand.u32 $0xFFFFFFC0, v57  }
0x101: {  	v3 =	vor.u32 v3, v4  }
0x102: {  	v4 =	vperm.xlane v3, v0;
	_ =	sdelay $0x1  }
0x103: {  	v4 =	vadd.s32 v1, v4;
	_ =	sdelay $0x4  }
0x104: {  	[tilespmem:s24], [sflag:$0x1] =	stream.indirect_vreg.gather [hbm4b:s4+s3], $0x80, v4, vm0, $0xb8;
	[tilespmem:$0x7180] =	vst v63  }
0x105: {  	v3 =	vperm.xlane v3, v2  }
0x106: {  	[tilespmem:s25], [sflag:$0x1] =	stream.indirect_vreg.gather [hbm4b:s5+s3], $0x80, v4, vm0, $0xb8;
	[tilespmem:$0x7180] =	vst v63  }
0x107: {  	v3 =	vadd.s32 v1, v3  }
0x108: {  	[tilespmem:s26], [sflag:$0x1] =	stream.indirect_vreg.gather [hbm4b:s6+s3], $0x80, v4, vm0, $0xb8;
	[tilespmem:$0x7180] =	vst v63  }
0x109: {  	_ = 	snop  }
0x10a: {  	[tilespmem:s28], [sflag:$0x1] =	stream.indirect_vreg.gather [hbm4b:s7+s3], $0x80, v4, vm1, $0xb8;
	[tilespmem:$0x7180] =	vst v63  }
0x10b: {  	_ = 	snop  }
0x10c: {  	[tilespmem:s29], [sflag:$0x1] =	stream.indirect_vreg.gather [hbm4b:s4+s3], $0x80, v3, vm0, $0xb8;
	[tilespmem:$0x7180] =	vst v63  }
0x10d: {  	_ = 	snop  }
0x10e: {  	[tilespmem:s30], [sflag:$0x1] =	stream.indirect_vreg.gather [hbm4b:s5+s3], $0x80, v3, vm0, $0xb8;
	[tilespmem:$0x7180] =	vst v63  }
0x10f: {  	_ = 	snop  }
0x110: {  	[tilespmem:s31], [sflag:$0x1] =	stream.indirect_vreg.gather [hbm4b:s6+s3], $0x80, v3, vm0, $0xb8;
	[tilespmem:$0x7180] =	vst v63  }
0x111: {  	_ = 	snop  }
0x112: {  	[tilespmem:s0], [sflag:$0x1] =	stream.indirect_vreg.gather [hbm4b:s7+s3], $0x80, v3, vm1, $0xb8;
	[tilespmem:$0x7180] =	vst v63  }
0x113: {  	_ =	swait.ge [sflag:s15], $0x7000  }
0x114: {  	[sflag:s15] =	ssyncset.done $0x0  }
0x115: {  	s2 =	rddreg [dreg:$0xa];
	[sflag:s15] =	ssyncadd.s32 $0xFFFF9000  }
0x116: {  	[hbm4b:s2+s3] =	stream.linear.scatter [tilespmem:s16], [sflag:$0x2], $0x7000, $0x38;
	[tilespmem:$0x7180] =	vst v63  }
0x117: {  	_ =	swait.ge [sflag:s12], $0x7000  }
0x118: {  	[sflag:s12] =	ssyncset.done $0x0  }
0x119: {  	[sflag:s12] =	ssyncadd.s32 $0xFFFF9000  }
0x11a: {  	v3 =	vld [tilespmem:$0x120];
	_ =	sdelay $0x4  }
0x11b: {  	v58 =	vshll.u32 v3, $0x3  }
0x11c: {  	v3 =	vand.u32 $0x7, v3;
	v4 =	vand.u32 $0xFFFFFFC0, v58  }
0x11d: {  	v3 =	vor.u32 v3, v4  }
0x11e: {  	v4 =	vperm.xlane v3, v0;
	_ =	sdelay $0x1  }
0x11f: {  	v4 =	vadd.s32 v1, v4;
	_ =	sdelay $0x4  }
0x120: {  	[tilespmem:s16], [sflag:$0x1] =	stream.indirect_vreg.gather [hbm4b:s4+s3], $0x80, v4, vm0, $0xb8;
	[tilespmem:$0x7180] =	vst v63  }
0x121: {  	v3 =	vperm.xlane v3, v2  }
0x122: {  	[tilespmem:s17], [sflag:$0x1] =	stream.indirect_vreg.gather [hbm4b:s5+s3], $0x80, v4, vm0, $0xb8;
	[tilespmem:$0x7180] =	vst v63  }
0x123: {  	v3 =	vadd.s32 v1, v3  }
0x124: {  	[tilespmem:s18], [sflag:$0x1] =	stream.indirect_vreg.gather [hbm4b:s6+s3], $0x80, v4, vm0, $0xb8;
	[tilespmem:$0x7180] =	vst v63  }
0x125: {  	_ = 	snop  }
0x126: {  	[tilespmem:s19], [sflag:$0x1] =	stream.indirect_vreg.gather [hbm4b:s7+s3], $0x80, v4, vm1, $0xb8;
	[tilespmem:$0x7180] =	vst v63  }
0x127: {  	_ = 	snop  }
0x128: {  	[tilespmem:s20], [sflag:$0x1] =	stream.indirect_vreg.gather [hbm4b:s4+s3], $0x80, v3, vm0, $0xb8;
	[tilespmem:$0x7180] =	vst v63  }
0x129: {  	_ = 	snop  }
0x12a: {  	[tilespmem:s21], [sflag:$0x1] =	stream.indirect_vreg.gather [hbm4b:s5+s3], $0x80, v3, vm0, $0xb8;
	[tilespmem:$0x7180] =	vst v63  }
0x12b: {  	_ = 	snop  }
0x12c: {  	[tilespmem:s22], [sflag:$0x1] =	stream.indirect_vreg.gather [hbm4b:s6+s3], $0x80, v3, vm0, $0xb8;
	[tilespmem:$0x7180] =	vst v63  }
0x12d: {  	_ = 	snop  }
0x12e: {  	[tilespmem:s23], [sflag:$0x1] =	stream.indirect_vreg.gather [hbm4b:s7+s3], $0x80, v3, vm1, $0xb8;
	[tilespmem:$0x7180] =	vst v63  }
0x12f: {  	v3 =	vld [tilespmem:$0x130];
	_ =	sdelay $0x4  }
0x130: {  	v59 =	vshll.u32 v3, $0x3  }
0x131: {  	v3 =	vand.u32 $0x7, v3;
	v4 =	vand.u32 $0xFFFFFFC0, v59  }
0x132: {  	v3 =	vor.u32 v3, v4  }
0x133: {  	v4 =	vperm.xlane v3, v0;
	_ =	sdelay $0x1  }
0x134: {  	v4 =	vadd.s32 v1, v4;
	_ =	sdelay $0x4  }
0x135: {  	[tilespmem:s24], [sflag:$0x1] =	stream.indirect_vreg.gather [hbm4b:s4+s3], $0x80, v4, vm0, $0xb8;
	[tilespmem:$0x7180] =	vst v63  }
0x136: {  	v3 =	vperm.xlane v3, v2  }
0x137: {  	[tilespmem:s25], [sflag:$0x1] =	stream.indirect_vreg.gather [hbm4b:s5+s3], $0x80, v4, vm0, $0xb8;
	[tilespmem:$0x7180] =	vst v63  }
0x138: {  	v3 =	vadd.s32 v1, v3  }
0x139: {  	[tilespmem:s26], [sflag:$0x1] =	stream.indirect_vreg.gather [hbm4b:s6+s3], $0x80, v4, vm0, $0xb8;
	[tilespmem:$0x7180] =	vst v63  }
0x13a: {  	_ = 	snop  }
0x13b: {  	[tilespmem:s28], [sflag:$0x1] =	stream.indirect_vreg.gather [hbm4b:s7+s3], $0x80, v4, vm1, $0xb8;
	[tilespmem:$0x7180] =	vst v63  }
0x13c: {  	_ = 	snop  }
0x13d: {  	[tilespmem:s29], [sflag:$0x1] =	stream.indirect_vreg.gather [hbm4b:s4+s3], $0x80, v3, vm0, $0xb8;
	[tilespmem:$0x7180] =	vst v63  }
0x13e: {  	_ = 	snop  }
0x13f: {  	[tilespmem:s30], [sflag:$0x1] =	stream.indirect_vreg.gather [hbm4b:s5+s3], $0x80, v3, vm0, $0xb8;
	[tilespmem:$0x7180] =	vst v63  }
0x140: {  	_ = 	snop  }
0x141: {  	[tilespmem:s31], [sflag:$0x1] =	stream.indirect_vreg.gather [hbm4b:s6+s3], $0x80, v3, vm0, $0xb8;
	[tilespmem:$0x7180] =	vst v63  }
0x142: {  	_ = 	snop  }
0x143: {  	[tilespmem:s0], [sflag:$0x1] =	stream.indirect_vreg.gather [hbm4b:s7+s3], $0x80, v3, vm1, $0xb8;
	[tilespmem:$0x7180] =	vst v63  }
0x144: {  	_ =	swait.ge [sflag:s15], $0x7000  }
0x145: {  	[sflag:s15] =	ssyncset.done $0x0  }
0x146: {  	[sflag:s15] =	ssyncadd.s32 $0xFFFF9000  }
0x147: {  	[hbm4b:s8+s3] =	stream.linear.scatter [tilespmem:s16], [sflag:$0x2], $0x7000, $0x38;
	[tilespmem:$0x7180] =	vst v63  }
0x148: {  	_ =	swait.ge [sflag:s12], $0x7000  }
0x149: {  	[sflag:s12] =	ssyncset.done $0x0  }
0x14a: {  	[sflag:s12] =	ssyncadd.s32 $0xFFFF9000  }
0x14b: {  	v3 =	vld [tilespmem:$0x140];
	_ =	sdelay $0x4  }
0x14c: {  	v60 =	vshll.u32 v3, $0x3  }
0x14d: {  	v3 =	vand.u32 $0x7, v3;
	v4 =	vand.u32 $0xFFFFFFC0, v60  }
0x14e: {  	v3 =	vor.u32 v3, v4  }
0x14f: {  	v4 =	vperm.xlane v3, v0;
	_ =	sdelay $0x1  }
0x150: {  	v4 =	vadd.s32 v1, v4;
	_ =	sdelay $0x4  }
0x151: {  	[tilespmem:s16], [sflag:$0x1] =	stream.indirect_vreg.gather [hbm4b:s4+s3], $0x80, v4, vm0, $0xb8;
	[tilespmem:$0x7180] =	vst v63  }
0x152: {  	v3 =	vperm.xlane v3, v2  }
0x153: {  	[tilespmem:s17], [sflag:$0x1] =	stream.indirect_vreg.gather [hbm4b:s5+s3], $0x80, v4, vm0, $0xb8;
	[tilespmem:$0x7180] =	vst v63  }
0x154: {  	v3 =	vadd.s32 v1, v3  }
0x155: {  	[tilespmem:s18], [sflag:$0x1] =	stream.indirect_vreg.gather [hbm4b:s6+s3], $0x80, v4, vm0, $0xb8;
	[tilespmem:$0x7180] =	vst v63  }
0x156: {  	_ = 	snop  }
0x157: {  	[tilespmem:s19], [sflag:$0x1] =	stream.indirect_vreg.gather [hbm4b:s7+s3], $0x80, v4, vm1, $0xb8;
	[tilespmem:$0x7180] =	vst v63  }
0x158: {  	_ = 	snop  }
0x159: {  	[tilespmem:s20], [sflag:$0x1] =	stream.indirect_vreg.gather [hbm4b:s4+s3], $0x80, v3, vm0, $0xb8;
	[tilespmem:$0x7180] =	vst v63  }
0x15a: {  	_ = 	snop  }
0x15b: {  	[tilespmem:s21], [sflag:$0x1] =	stream.indirect_vreg.gather [hbm4b:s5+s3], $0x80, v3, vm0, $0xb8;
	[tilespmem:$0x7180] =	vst v63  }
0x15c: {  	_ = 	snop  }
0x15d: {  	[tilespmem:s22], [sflag:$0x1] =	stream.indirect_vreg.gather [hbm4b:s6+s3], $0x80, v3, vm0, $0xb8;
	[tilespmem:$0x7180] =	vst v63  }
0x15e: {  	_ = 	snop  }
0x15f: {  	[tilespmem:s23], [sflag:$0x1] =	stream.indirect_vreg.gather [hbm4b:s7+s3], $0x80, v3, vm1, $0xb8;
	[tilespmem:$0x7180] =	vst v63  }
0x160: {  	v3 =	vld [tilespmem:$0x150];
	_ =	sdelay $0x4  }
0x161: {  	v61 =	vshll.u32 v3, $0x3  }
0x162: {  	v3 =	vand.u32 $0x7, v3;
	v4 =	vand.u32 $0xFFFFFFC0, v61  }
0x163: {  	v3 =	vor.u32 v3, v4  }
0x164: {  	v4 =	vperm.xlane v3, v0;
	_ =	sdelay $0x1  }
0x165: {  	v4 =	vadd.s32 v1, v4;
	_ =	sdelay $0x4  }
0x166: {  	[tilespmem:s24], [sflag:$0x1] =	stream.indirect_vreg.gather [hbm4b:s4+s3], $0x80, v4, vm0, $0xb8;
	[tilespmem:$0x7180] =	vst v63  }
0x167: {  	v3 =	vperm.xlane v3, v2  }
0x168: {  	[tilespmem:s25], [sflag:$0x1] =	stream.indirect_vreg.gather [hbm4b:s5+s3], $0x80, v4, vm0, $0xb8;
	[tilespmem:$0x7180] =	vst v63  }
0x169: {  	v3 =	vadd.s32 v1, v3  }
0x16a: {  	[tilespmem:s26], [sflag:$0x1] =	stream.indirect_vreg.gather [hbm4b:s6+s3], $0x80, v4, vm0, $0xb8;
	[tilespmem:$0x7180] =	vst v63  }
0x16b: {  	_ = 	snop  }
0x16c: {  	[tilespmem:s28], [sflag:$0x1] =	stream.indirect_vreg.gather [hbm4b:s7+s3], $0x80, v4, vm1, $0xb8;
	[tilespmem:$0x7180] =	vst v63  }
0x16d: {  	_ = 	snop  }
0x16e: {  	[tilespmem:s29], [sflag:$0x1] =	stream.indirect_vreg.gather [hbm4b:s4+s3], $0x80, v3, vm0, $0xb8;
	[tilespmem:$0x7180] =	vst v63  }
0x16f: {  	_ = 	snop  }
0x170: {  	[tilespmem:s30], [sflag:$0x1] =	stream.indirect_vreg.gather [hbm4b:s5+s3], $0x80, v3, vm0, $0xb8;
	[tilespmem:$0x7180] =	vst v63  }
0x171: {  	_ = 	snop  }
0x172: {  	[tilespmem:s31], [sflag:$0x1] =	stream.indirect_vreg.gather [hbm4b:s6+s3], $0x80, v3, vm0, $0xb8;
	[tilespmem:$0x7180] =	vst v63  }
0x173: {  	_ = 	snop  }
0x174: {  	[tilespmem:s0], [sflag:$0x1] =	stream.indirect_vreg.gather [hbm4b:s7+s3], $0x80, v3, vm1, $0xb8;
	[tilespmem:$0x7180] =	vst v63  }
0x175: {  	_ =	swait.ge [sflag:s15], $0x7000  }
0x176: {  	[sflag:s15] =	ssyncset.done $0x0  }
0x177: {  	[sflag:s15] =	ssyncadd.s32 $0xFFFF9000  }
0x178: {  	[hbm4b:s9+s3] =	stream.linear.scatter [tilespmem:s16], [sflag:$0x2], $0x7000, $0x38;
	[tilespmem:$0x7180] =	vst v63  }
0x179: {  	_ =	swait.ge [sflag:s12], $0x7000  }
0x17a: {  	[sflag:s12] =	ssyncset.done $0x0  }
0x17b: {  	[sflag:s12] =	ssyncadd.s32 $0xFFFF9000  }
0x17c: {  	v3 =	vld [tilespmem:$0x160];
	_ =	sdelay $0x4  }
0x17d: {  	v62 =	vshll.u32 v3, $0x3  }
0x17e: {  	v3 =	vand.u32 $0x7, v3;
	v4 =	vand.u32 $0xFFFFFFC0, v62  }
0x17f: {  	v3 =	vor.u32 v3, v4  }
0x180: {  	v4 =	vperm.xlane v3, v0;
	_ =	sdelay $0x1  }
0x181: {  	v4 =	vadd.s32 v1, v4;
	_ =	sdelay $0x4  }
0x182: {  	[tilespmem:s16], [sflag:$0x1] =	stream.indirect_vreg.gather [hbm4b:s4+s3], $0x80, v4, vm0, $0xb8;
	[tilespmem:$0x7180] =	vst v63  }
0x183: {  	v3 =	vperm.xlane v3, v2  }
0x184: {  	[tilespmem:s17], [sflag:$0x1] =	stream.indirect_vreg.gather [hbm4b:s5+s3], $0x80, v4, vm0, $0xb8;
	[tilespmem:$0x7180] =	vst v63  }
0x185: {  	v3 =	vadd.s32 v1, v3  }
0x186: {  	[tilespmem:s18], [sflag:$0x1] =	stream.indirect_vreg.gather [hbm4b:s6+s3], $0x80, v4, vm0, $0xb8;
	[tilespmem:$0x7180] =	vst v63  }
0x187: {  	_ = 	snop  }
0x188: {  	[tilespmem:s19], [sflag:$0x1] =	stream.indirect_vreg.gather [hbm4b:s7+s3], $0x80, v4, vm1, $0xb8;
	[tilespmem:$0x7180] =	vst v63  }
0x189: {  	_ = 	snop  }
0x18a: {  	[tilespmem:s20], [sflag:$0x1] =	stream.indirect_vreg.gather [hbm4b:s4+s3], $0x80, v3, vm0, $0xb8;
	[tilespmem:$0x7180] =	vst v63  }
0x18b: {  	_ = 	snop  }
0x18c: {  	[tilespmem:s21], [sflag:$0x1] =	stream.indirect_vreg.gather [hbm4b:s5+s3], $0x80, v3, vm0, $0xb8;
	[tilespmem:$0x7180] =	vst v63  }
0x18d: {  	_ = 	snop  }
0x18e: {  	[tilespmem:s22], [sflag:$0x1] =	stream.indirect_vreg.gather [hbm4b:s6+s3], $0x80, v3, vm0, $0xb8;
	[tilespmem:$0x7180] =	vst v63  }
0x18f: {  	_ = 	snop  }
0x190: {  	[tilespmem:s23], [sflag:$0x1] =	stream.indirect_vreg.gather [hbm4b:s7+s3], $0x80, v3, vm1, $0xb8;
	[tilespmem:$0x7180] =	vst v63  }
0x191: {  	v3 =	vld [tilespmem:$0x170];
	_ =	sdelay $0x4  }
0x192: {  	v63 =	vshll.u32 v3, $0x3  }
0x193: {  	v3 =	vand.u32 $0x7, v3;
	v4 =	vand.u32 $0xFFFFFFC0, v63  }
0x194: {  	v3 =	vor.u32 v3, v4  }
0x195: {  	v4 =	vperm.xlane v3, v0;
	_ =	sdelay $0x1  }
0x196: {  	v4 =	vadd.s32 v1, v4;
	_ =	sdelay $0x4  }
0x197: {  	[tilespmem:s24], [sflag:$0x1] =	stream.indirect_vreg.gather [hbm4b:s4+s3], $0x80, v4, vm0, $0xb8;
	[tilespmem:$0x7180] =	vst v63  }
0x198: {  	v3 =	vperm.xlane v3, v2  }
0x199: {  	[tilespmem:s25], [sflag:$0x1] =	stream.indirect_vreg.gather [hbm4b:s5+s3], $0x80, v4, vm0, $0xb8;
	[tilespmem:$0x7180] =	vst v63  }
0x19a: {  	v3 =	vadd.s32 v1, v3  }
0x19b: {  	[tilespmem:s26], [sflag:$0x1] =	stream.indirect_vreg.gather [hbm4b:s6+s3], $0x80, v4, vm0, $0xb8;
	[tilespmem:$0x7180] =	vst v63  }
0x19c: {  	_ = 	snop  }
0x19d: {  	[tilespmem:s28], [sflag:$0x1] =	stream.indirect_vreg.gather [hbm4b:s7+s3], $0x80, v4, vm1, $0xb8;
	[tilespmem:$0x7180] =	vst v63  }
0x19e: {  	_ = 	snop  }
0x19f: {  	[tilespmem:s29], [sflag:$0x1] =	stream.indirect_vreg.gather [hbm4b:s4+s3], $0x80, v3, vm0, $0xb8;
	[tilespmem:$0x7180] =	vst v63  }
0x1a0: {  	_ = 	snop  }
0x1a1: {  	[tilespmem:s30], [sflag:$0x1] =	stream.indirect_vreg.gather [hbm4b:s5+s3], $0x80, v3, vm0, $0xb8;
	[tilespmem:$0x7180] =	vst v63  }
0x1a2: {  	_ = 	snop  }
0x1a3: {  	[tilespmem:s31], [sflag:$0x1] =	stream.indirect_vreg.gather [hbm4b:s6+s3], $0x80, v3, vm0, $0xb8;
	[tilespmem:$0x7180] =	vst v63  }
0x1a4: {  	_ = 	snop  }
0x1a5: {  	[tilespmem:s0], [sflag:$0x1] =	stream.indirect_vreg.gather [hbm4b:s7+s3], $0x80, v3, vm1, $0xb8;
	[tilespmem:$0x7180] =	vst v63  }
0x1a6: {  	_ =	swait.ge [sflag:s15], $0x7000  }
0x1a7: {  	p0 =	sne.s32 s11, $0x1;
	[sflag:s15] =	ssyncset.done $0x0  }
.Ltmp0:
0x1a8: {  	[sflag:s15] =	ssyncadd.s32 $0xFFFF9000;
	(pc) =	sbr.rel @p0 .LBB2_1-.Ltmp0, $4  }
0x1a9: {  	[hbm4b:s10+s3] =	stream.linear.scatter [tilespmem:s16], [sflag:$0x2], $0x7000, $0x38;
	[tilespmem:$0x7180] =	vst v63  }
0x1aa: {  	_ =	swait.ge [sflag:s12], $0x7000  }
0x1ab: {  	[sflag:s12] =	ssyncset.done $0x0  }
0x1ac: {  	s11 =	sadd.s32 $0xFFFFFFFF, s11;
	[sflag:s12] =	ssyncadd.s32 $0xFFFF9000  }
0x1ad: {  	_ =	sfence.sel $0x180000  }
0x1ae: {  	[bflag:$0x0] =	sbarrier.arrive $0xFFFF  }
0x1af: {  	_ =	strace $0x90000047  }
0x1b0: {  	s0 =	stileid.u32;
	[bflag:$0x2] =	sbarrier.arrive $0xFFFF  }
0x1b1: {  	p0 =	sne.s32 s0, $0x0;
	s0 =	rddreg [dreg:$0x3]  }
0x1b2: {  	s0 =	sadd.s32 @!p0 $0x100000, s0  }
0x1b3: {  	[sflag:s0] =	ssyncadd.tile.s32 @!p0 $0x1;
	_ =	shalt  }
.Lfunc_end2:
_tile_overlayer_lowered:
.L_overlay_start_2:
0x1b4: {  	(tag) =	ssettag $0x2  }
0x1b5: {  	s0 =	rddreg [dreg:$0x0];
	s2 =	stileid.u32  }
0x1b6: {  	s1 =	rddreg [dreg:$0x1];
	p0 =	sne.s32 s2, $0x0  }
0x1b7: {  	s3 =	rddreg [dreg:$0x2];
	[bflag:$0x3] =	sbarrier.arrive $0xFFFF;
	s2 =	simm.s32 @!p0 $0x1C02  }
0x1b8: {  	[timem:s3], [sflag:s2] =	dma.local @!p0 [hbm:s0], s1  }
0x1b9: {  	s0 =	simm.s32 @!p0 $0x2  }
0x1ba: {  	_ =	swait.ge @!p0 [sflag:s0], s1  }
0x1bb: {  	s1 =	ssub.s32 @!p0 $0x0, s1;
	[sflag:s0] =	ssyncset.done @!p0 $0x0  }
0x1bc: {  	[sflag:s0] =	ssyncadd.s32 @!p0 s1  }
0x1bd: {  	[bflag:$0x3] =	sbarrier.arrive $0xFFFF  }
0x1be: {  	_ =	shalt  }

</sc_bundles>
